<compile_context>
chip_gen: v7x
topology: tpu7x:2x2x1
jax: 0.10.2.dev20260603
libtpu: 0.0.44.dev20260713+nightly
codegen_flags: <defaults>
</compile_context>

<pallas_src>
import jax
import jax.numpy as jnp
from jax import lax
from jax.experimental import pallas as pl
from jax.experimental.pallas import tpu as pltpu
from jax.experimental.pallas import tpu_sc as plsc

N = 10000
E = 160000
H = 256
NC = 2
NS = 16
R = 10240
TILE_ROWS = R // NS
EW = 128
EROWS = 1280
EPAD = EROWS * EW
EPT = EROWS // NS
NCHUNK = 4
CW = 128
CPF = H // CW
ADT = jnp.bfloat16
BLK = 512
GRID = R // BLK


def _mesh():
    return plsc.VectorSubcoreMesh(
        core_axis_name="c", subcore_axis_name="s", num_cores=NC,
        num_subcores=NS)


def _deg_body(src_hbm, dst_hbm, ones_hbm, zeros_hbm, out, idx, ones_v,
              zeros_v, acc, sem):
    cid = lax.axis_index("c")
    sid = lax.axis_index("s")
    erow0 = sid * EPT

    @pl.when(cid == 0)
    def _():
        pltpu.sync_copy(src_hbm.at[pl.ds(erow0, EPT)], idx)

    @pl.when(cid == 1)
    def _():
        pltpu.sync_copy(dst_hbm.at[pl.ds(erow0, EPT)], idx)

    pltpu.sync_copy(ones_hbm, ones_v)
    pltpu.sync_copy(zeros_hbm, zeros_v)
    r0 = sid * TILE_ROWS
    pltpu.sync_copy(zeros_v, acc.at[pl.ds(r0, TILE_ROWS)])
    plsc.subcore_barrier()

    def body(j, carry):
        pltpu.async_copy(ones_v, acc.at[idx.at[j]], sem, add=True)
        return carry

    lax.fori_loop(0, EPT, body, 0)

    def drain(j, carry):
        pltpu.make_async_copy(ones_v, acc.at[idx.at[j]], sem).wait()
        return carry

    lax.fori_loop(0, EPT, drain, 0)
    plsc.subcore_barrier()
    pltpu.sync_copy(acc.at[pl.ds(r0, TILE_ROWS)],
                    out.at[pl.ds(cid * R + r0, TILE_ROWS)])


def _deg_kernel():
    return pl.kernel(
        _deg_body,
        out_type=jax.ShapeDtypeStruct((NC * R, 16), jnp.float32),
        mesh=_mesh(),
        scratch_types=[
            pltpu.VMEM((EPT, EW), jnp.int32),
            pltpu.VMEM((EW, 16), jnp.float32),
            pltpu.VMEM((TILE_ROWS, 16), jnp.float32),
            pltpu.VMEM_SHARED((R, 16), jnp.float32),
            pltpu.SemaphoreType.DMA,
        ],
        compiler_params=pltpu.CompilerParams(use_tc_tiling_on_sc=False),
    )


def _scatter_inner(xk, idx_s, idx_d, gbuf0, gbuf1, acc, sem0, sem1):
    pltpu.async_copy(xk.at[idx_s.at[0]], gbuf0, sem0)

    def body(jj, carry):
        w0 = 2 * jj
        w1 = w0 + 1
        pltpu.make_async_copy(xk.at[idx_s.at[w0]], gbuf0, sem0).wait()
        pltpu.async_copy(xk.at[idx_s.at[w1]], gbuf1, sem1)
        pltpu.sync_copy(gbuf0, acc.at[idx_d.at[w0]], add=True)
        pltpu.make_async_copy(xk.at[idx_s.at[w1]], gbuf1, sem1).wait()

        @pl.when(w1 + 1 < EPT)
        def _():
            pltpu.async_copy(xk.at[idx_s.at[w1 + 1]], gbuf0, sem0)

        pltpu.sync_copy(gbuf1, acc.at[idx_d.at[w1]], add=True)
        return carry

    lax.fori_loop(0, EPT // 2, body, 0)


def _scatter_body(src_hbm, dst_hbm, zeros_hbm, x0, x1, x2, x3, out,
                  idx_s, idx_d, gbuf0, gbuf1, zeros_v, acc, sem0, sem1):
    cid = lax.axis_index("c")
    sid = lax.axis_index("s")
    erow0 = sid * EPT
    pltpu.sync_copy(src_hbm.at[pl.ds(erow0, EPT)], idx_s)
    pltpu.sync_copy(dst_hbm.at[pl.ds(erow0, EPT)], idx_d)
    pltpu.sync_copy(zeros_hbm, zeros_v)
    r0 = sid * TILE_ROWS
    for k in range(CPF):
        pltpu.sync_copy(zeros_v, acc.at[pl.ds(r0, TILE_ROWS)])
        plsc.subcore_barrier()

        @pl.when(cid == 0)
        def _(k=k):
            _scatter_inner((x0, x1)[k], idx_s, idx_d, gbuf0, gbuf1, acc,
                           sem0, sem1)

        @pl.when(cid == 1)
        def _(k=k):
            _scatter_inner((x2, x3)[k], idx_s, idx_d, gbuf0, gbuf1, acc,
                           sem0, sem1)

        plsc.subcore_barrier()
        pltpu.sync_copy(acc.at[pl.ds(r0, TILE_ROWS)],
                        out.at[pl.ds((cid * CPF + k) * R + r0, TILE_ROWS)])


def _scatter_kernel():
    return pl.kernel(
        _scatter_body,
        out_type=jax.ShapeDtypeStruct((NCHUNK * R, CW), ADT),
        mesh=_mesh(),
        scratch_types=[
            pltpu.VMEM((EPT, EW), jnp.int32),
            pltpu.VMEM((EPT, EW), jnp.int32),
            pltpu.VMEM((EW, CW), ADT),
            pltpu.VMEM((EW, CW), ADT),
            pltpu.VMEM((TILE_ROWS, CW), ADT),
            pltpu.VMEM_SHARED((R, CW), ADT),
            pltpu.SemaphoreType.DMA,
            pltpu.SemaphoreType.DMA,
        ],
        compiler_params=pltpu.CompilerParams(use_tc_tiling_on_sc=False),
    )


def _mm_body(dego_ref, q_ref, p_ref, wq_ref, wp_ref, *x_refs):
    deg = dego_ref[:, 0]
    norm = jnp.where(deg > 0, lax.rsqrt(deg), 0.0)[:, None]
    xq = jnp.dot(q_ref[...].astype(ADT), wq_ref[...].astype(ADT),
                 preferred_element_type=jnp.float32) * norm
    xp = jnp.dot(p_ref[...].astype(ADT), wp_ref[...].astype(ADT),
                 preferred_element_type=jnp.float32) * norm
    for c in range(CPF):
        x_refs[c][...] = xq[:, c * CW:(c + 1) * CW].astype(ADT)
        x_refs[CPF + c][...] = xp[:, c * CW:(c + 1) * CW].astype(ADT)


def _mm_call(degs, q, p, Wq, Wp):
    blkm = 400
    xspec = pl.BlockSpec((blkm, CW), lambda i: (i, 0))
    return pl.pallas_call(
        _mm_body,
        grid=(N // blkm,),
        in_specs=[
            pl.BlockSpec((blkm, 16), lambda i: (i, 0)),
            pl.BlockSpec((blkm, H), lambda i: (i, 0)),
            pl.BlockSpec((blkm, H), lambda i: (i, 0)),
            pl.BlockSpec((H, H), lambda i: (0, 0)),
            pl.BlockSpec((H, H), lambda i: (0, 0)),
        ],
        out_specs=[xspec] * NCHUNK,
        out_shape=[jax.ShapeDtypeStruct((R, CW), ADT)] * NCHUNK,
    )(degs, q, p, Wq, Wp)


def _mlp_body(parts_ref, degi_ref, w1_ref, w2_ref, bq_ref, bp_ref, b1_ref,
              b2_ref, out_ref):
    i = pl.program_id(0)
    deg = degi_ref[:, 0]
    norm = jnp.where(deg > 0, lax.rsqrt(deg), 0.0)[:, None]
    aggq = jnp.concatenate(
        [parts_ref[c].astype(jnp.float32) for c in range(CPF)], axis=1)
    aggp = jnp.concatenate(
        [parts_ref[CPF + c].astype(jnp.float32) for c in range(CPF)], axis=1)
    zq = aggq * norm + bq_ref[...]
    zp = aggp * norm + bp_ref[...]
    z = jnp.concatenate([zq, zp], axis=1)
    h = jnp.tanh(jnp.dot(z.astype(ADT), w1_ref[...].astype(ADT),
                         preferred_element_type=jnp.float32) + b1_ref[...])
    h2 = jnp.dot(h.astype(ADT), w2_ref[...].astype(ADT),
                 preferred_element_type=jnp.float32) + b2_ref[...]
    rows = i * BLK + lax.broadcasted_iota(jnp.int32, (BLK, 1), 0)
    ssq = 0.5 * jnp.sum(jnp.where(rows < N, h2 * h2, 0.0))

    @pl.when(i == 0)
    def _():
        out_ref[...] = jnp.zeros((1, 1), jnp.float32)

    out_ref[...] += jnp.reshape(ssq, (1, 1))


def _mlp_call(parts4, degs, W1, W2, bq, bp, b1, b2):
    bspec = pl.BlockSpec((1, H), lambda i: (0, 0))
    return pl.pallas_call(
        _mlp_body,
        grid=(GRID,),
        in_specs=[
            pl.BlockSpec((NCHUNK, BLK, CW), lambda i: (0, i, 0)),
            pl.BlockSpec((BLK, 16), lambda i: (GRID + i, 0)),
            pl.BlockSpec((2 * H, H), lambda i: (0, 0)),
            pl.BlockSpec((H, H), lambda i: (0, 0)),
            bspec, bspec, bspec, bspec,
        ],
        out_specs=pl.BlockSpec((1, 1), lambda i: (0, 0)),
        out_shape=jax.ShapeDtypeStruct((1, 1), jnp.float32),
    )(parts4, degs, W1, W2, bq, bp, b1, b2)


def kernel(q, p, edge_index, Wq, bq, Wp, bp, W1, b1, W2, b2):
    src = edge_index[0].astype(jnp.int32)
    dst = edge_index[1].astype(jnp.int32)
    npad = EPAD - E
    padv = N + (jnp.arange(npad, dtype=jnp.int32) % (R - N))
    src2d = jnp.concatenate([src, padv]).reshape(EROWS, EW)
    dst2d = jnp.concatenate([dst, padv]).reshape(EROWS, EW)

    ones16 = jnp.ones((EW, 16), jnp.float32)
    zeros16 = jnp.zeros((TILE_ROWS, 16), jnp.float32)
    zerosw = jnp.zeros((TILE_ROWS, CW), ADT)

    degs = _deg_kernel()(src2d, dst2d, ones16, zeros16)

    xs = _mm_call(degs, q, p, Wq, Wp)

    parts = _scatter_kernel()(src2d, dst2d, zerosw, *xs)
    parts4 = parts.reshape(NCHUNK, R, CW)

    hs = _mlp_call(parts4, degs, W1, W2, bq[None, :], bp[None, :],
                   b1[None, :], b2[None, :])
    return hs[0, 0]

# --- scband reference (transcript-rebuilt; emitter-appended) ---
"""Pipeline reference for scband-energy-net-18047452578206 (READ-ONLY COPY).

The authoritative reference and input builder live on the scoring server;
editing this copy changes nothing except your own understanding.
"""

import jax, jax.numpy as jnp
import numpy as np

N = 10000
E = 160000
H = 256
EH = 256


def setup_inputs(seed: int = 0) -> dict:
    key = jax.random.key(seed)
    ks = jax.random.split(key, 12)
    q = jax.random.normal(ks[0], (N, H), dtype=jnp.float32)
    p = jax.random.normal(ks[1], (N, H), dtype=jnp.float32)
    edge_index = jax.random.randint(ks[2], (2, E), 0, N, dtype=jnp.int32)
    s = 1.0 / np.sqrt(H)
    Wq = jax.random.normal(ks[3], (H, H), dtype=jnp.float32) * s
    bq = jnp.zeros((H,), dtype=jnp.float32)
    Wp = jax.random.normal(ks[4], (H, H), dtype=jnp.float32) * s
    bp = jnp.zeros((H,), dtype=jnp.float32)
    W1 = jax.random.normal(ks[5], (2 * H, EH), dtype=jnp.float32) * (1.0 / np.sqrt(2 * H))
    b1 = jnp.zeros((EH,), dtype=jnp.float32)
    W2 = jax.random.normal(ks[6], (EH, H), dtype=jnp.float32) * (1.0 / np.sqrt(EH))
    b2 = jnp.zeros((H,), dtype=jnp.float32)
    return {"q": q, "p": p, "edge_index": edge_index, "Wq": Wq, "bq": bq,
            "Wp": Wp, "bp": bp, "W1": W1, "b1": b1, "W2": W2, "b2": b2}


def _graph_conv(x, W, b, src, dst):
    # DGL GraphConv, norm='both', sum aggregation, weight applied first (in<=out)
    ones = jnp.ones((src.shape[0],), dtype=x.dtype)
    deg_out = jnp.zeros((N,), dtype=x.dtype).at[src].add(ones)
    deg_in = jnp.zeros((N,), dtype=x.dtype).at[dst].add(ones)
    norm_out = jnp.where(deg_out > 0, deg_out ** -0.5, 0.0)
    norm_in = jnp.where(deg_in > 0, deg_in ** -0.5, 0.0)
    x = x @ W
    x = x * norm_out[:, None]
    agg = jnp.zeros_like(x).at[dst].add(x[src])
    agg = agg * norm_in[:, None]
    return agg + b


def reference(q, p, edge_index, Wq, bq, Wp, bp, W1, b1, W2, b2):
    src = edge_index[0]
    dst = edge_index[1]
    qg = _graph_conv(q, Wq, bq, src, dst)
    pg = _graph_conv(p, Wp, bp, src, dst)
    z = jnp.concatenate([qg, pg], axis=-1)
    h = jnp.tanh(z @ W1 + b1)
    h = h @ W2 + b2
    Hs = 0.5 * jnp.sum(h ** 2)
    return Hs

if __name__ == "__main__":
    import jax
    _d = setup_inputs()
    print(jax.jit(kernel)(*tuple(_d.values())))

</pallas_src>

<mosaic_0001>
#map = affine_map<(d0, d1) -> (0, 0)>
module attributes {stable_mosaic.version = 14 : i64} {
  func.func @_deg_body(%arg0: i32, %arg1: i32, %arg2: memref<1280x128xi32, #tpu.memory_space<hbm>>, %arg3: memref<1280x128xi32, #tpu.memory_space<hbm>>, %arg4: memref<128x16xf32, #tpu.memory_space<hbm>>, %arg5: memref<640x16xf32, #tpu.memory_space<hbm>>, %arg6: memref<20480x16xf32, #tpu.memory_space<hbm>>, %arg7: memref<80x128xi32, #tpu.memory_space<vmem>>, %arg8: memref<128x16xf32, #tpu.memory_space<vmem>>, %arg9: memref<640x16xf32, #tpu.memory_space<vmem>>, %arg10: memref<10240x16xf32, #tpu.memory_space<vmem_shared>>, %arg11: memref<!tpu.dma_semaphore, #tpu.memory_space<semaphore_mem>>) attributes {dimension_semantics = [#tpu.dimension_semantics<core_parallel>, #tpu.dimension_semantics<subcore_parallel>], iteration_bounds = array<i64: 2, 16>, scalar_prefetch = 0 : i64, scratch_operands = 5 : i64, tpu.core_type = #tpu.core_type<sc_vector_subcore>, window_params = [{transform_indices = #map}, {transform_indices = #map}, {transform_indices = #map}, {transform_indices = #map}, {transform_indices = #map}]} {
    %mul3A = arith.constant 80 : i32
    %mul3A_0 = arith.muli %arg1, %mul3A : i32
    %eq3A = arith.constant 0 : i32
    %eq3A_1 = arith.cmpi eq, %arg0, %eq3A : i32
    %convert_element_type3A = arith.extui %eq3A_1 : i1 to i32
    %cond3A = arith.constant 0 : i32
    %cond3A_2 = arith.cmpi ne, %convert_element_type3A, %cond3A : i32
    scf.if %cond3A_2 {
      "tpu.region"() ({
        %run_scoped3A = tpu.sem_alloc : memref<!tpu.dma_semaphore, #tpu.memory_space<semaphore_mem>>
        %dma_start3A = arith.constant 0 : i32
        %dma_start3A_24 = tpu.memref_slice %arg2[%mul3A_0, %dma_start3A] : memref<1280x128xi32, #tpu.memory_space<hbm>> -> memref<80x128xi32, #tpu.memory_space<hbm>>
        %dma_start3A_25 = arith.constant 0 : i32
        %dma_start3A_26 = tpu.memref_slice %arg2[%mul3A_0, %dma_start3A_25] : memref<1280x128xi32, #tpu.memory_space<hbm>> -> memref<80x128xi32, #tpu.memory_space<hbm>>
        tpu.enqueue_dma source(%dma_start3A_26 : memref<80x128xi32, #tpu.memory_space<hbm>>) target(%arg7 : memref<80x128xi32, #tpu.memory_space<vmem>>) target_semaphore(%run_scoped3A : memref<!tpu.dma_semaphore, #tpu.memory_space<semaphore_mem>>)
        %dma_wait3A = arith.constant 0 : i32
        %dma_wait3A_27 = tpu.memref_slice %arg2[%mul3A_0, %dma_wait3A] : memref<1280x128xi32, #tpu.memory_space<hbm>> -> memref<80x128xi32, #tpu.memory_space<hbm>>
        %dma_wait3A_28 = arith.constant 0 : i32
        %dma_wait3A_29 = tpu.memref_slice %arg2[%mul3A_0, %dma_wait3A_28] : memref<1280x128xi32, #tpu.memory_space<hbm>> -> memref<80x128xi32, #tpu.memory_space<hbm>>
        tpu.wait_dma2 semaphore(%run_scoped3A : memref<!tpu.dma_semaphore, #tpu.memory_space<semaphore_mem>>) src(%dma_wait3A_29 : memref<80x128xi32, #tpu.memory_space<hbm>>) dst(%arg7 : memref<80x128xi32, #tpu.memory_space<vmem>>)
        tpu.yield
      }) : () -> ()
    } else {
    }
    %eq3A_3 = arith.constant 1 : i32
    %eq3A_4 = arith.cmpi eq, %arg0, %eq3A_3 : i32
    %convert_element_type3A_5 = arith.extui %eq3A_4 : i1 to i32
    %cond3A_6 = arith.constant 0 : i32
    %cond3A_7 = arith.cmpi ne, %convert_element_type3A_5, %cond3A_6 : i32
    scf.if %cond3A_7 {
      "tpu.region"() ({
        %run_scoped3A = tpu.sem_alloc : memref<!tpu.dma_semaphore, #tpu.memory_space<semaphore_mem>>
        %dma_start3A = arith.constant 0 : i32
        %dma_start3A_24 = tpu.memref_slice %arg3[%mul3A_0, %dma_start3A] : memref<1280x128xi32, #tpu.memory_space<hbm>> -> memref<80x128xi32, #tpu.memory_space<hbm>>
        %dma_start3A_25 = arith.constant 0 : i32
        %dma_start3A_26 = tpu.memref_slice %arg3[%mul3A_0, %dma_start3A_25] : memref<1280x128xi32, #tpu.memory_space<hbm>> -> memref<80x128xi32, #tpu.memory_space<hbm>>
        tpu.enqueue_dma source(%dma_start3A_26 : memref<80x128xi32, #tpu.memory_space<hbm>>) target(%arg7 : memref<80x128xi32, #tpu.memory_space<vmem>>) target_semaphore(%run_scoped3A : memref<!tpu.dma_semaphore, #tpu.memory_space<semaphore_mem>>)
        %dma_wait3A = arith.constant 0 : i32
        %dma_wait3A_27 = tpu.memref_slice %arg3[%mul3A_0, %dma_wait3A] : memref<1280x128xi32, #tpu.memory_space<hbm>> -> memref<80x128xi32, #tpu.memory_space<hbm>>
        %dma_wait3A_28 = arith.constant 0 : i32
        %dma_wait3A_29 = tpu.memref_slice %arg3[%mul3A_0, %dma_wait3A_28] : memref<1280x128xi32, #tpu.memory_space<hbm>> -> memref<80x128xi32, #tpu.memory_space<hbm>>
        tpu.wait_dma2 semaphore(%run_scoped3A : memref<!tpu.dma_semaphore, #tpu.memory_space<semaphore_mem>>) src(%dma_wait3A_29 : memref<80x128xi32, #tpu.memory_space<hbm>>) dst(%arg7 : memref<80x128xi32, #tpu.memory_space<vmem>>)
        tpu.yield
      }) : () -> ()
    } else {
    }
    "tpu.region"() ({
      %run_scoped3A = tpu.sem_alloc : memref<!tpu.dma_semaphore, #tpu.memory_space<semaphore_mem>>
      tpu.enqueue_dma source(%arg4 : memref<128x16xf32, #tpu.memory_space<hbm>>) target(%arg8 : memref<128x16xf32, #tpu.memory_space<vmem>>) target_semaphore(%run_scoped3A : memref<!tpu.dma_semaphore, #tpu.memory_space<semaphore_mem>>)
      tpu.wait_dma2 semaphore(%run_scoped3A : memref<!tpu.dma_semaphore, #tpu.memory_space<semaphore_mem>>) src(%arg4 : memref<128x16xf32, #tpu.memory_space<hbm>>) dst(%arg8 : memref<128x16xf32, #tpu.memory_space<vmem>>)
      tpu.yield
    }) : () -> ()
    "tpu.region"() ({
      %run_scoped3A = tpu.sem_alloc : memref<!tpu.dma_semaphore, #tpu.memory_space<semaphore_mem>>
      tpu.enqueue_dma source(%arg5 : memref<640x16xf32, #tpu.memory_space<hbm>>) target(%arg9 : memref<640x16xf32, #tpu.memory_space<vmem>>) target_semaphore(%run_scoped3A : memref<!tpu.dma_semaphore, #tpu.memory_space<semaphore_mem>>)
      tpu.wait_dma2 semaphore(%run_scoped3A : memref<!tpu.dma_semaphore, #tpu.memory_space<semaphore_mem>>) src(%arg5 : memref<640x16xf32, #tpu.memory_space<hbm>>) dst(%arg9 : memref<640x16xf32, #tpu.memory_space<vmem>>)
      tpu.yield
    }) : () -> ()
    %mul3A_8 = arith.constant 640 : i32
    %mul3A_9 = arith.muli %arg1, %mul3A_8 : i32
    "tpu.region"() ({
      %run_scoped3A = tpu.sem_alloc : memref<!tpu.dma_semaphore, #tpu.memory_space<semaphore_mem>>
      %dma_start3A = arith.constant 0 : i32
      %dma_start3A_24 = tpu.memref_slice %arg10[%mul3A_9, %dma_start3A] : memref<10240x16xf32, #tpu.memory_space<vmem_shared>> -> memref<640x16xf32, #tpu.memory_space<vmem_shared>>
      %dma_start3A_25 = arith.constant 0 : i32
      %dma_start3A_26 = tpu.memref_slice %arg10[%mul3A_9, %dma_start3A_25] : memref<10240x16xf32, #tpu.memory_space<vmem_shared>> -> memref<640x16xf32, #tpu.memory_space<vmem_shared>>
      tpu.enqueue_dma source(%arg9 : memref<640x16xf32, #tpu.memory_space<vmem>>) target(%dma_start3A_26 : memref<640x16xf32, #tpu.memory_space<vmem_shared>>) target_semaphore(%run_scoped3A : memref<!tpu.dma_semaphore, #tpu.memory_space<semaphore_mem>>)
      %dma_wait3A = arith.constant 0 : i32
      %dma_wait3A_27 = tpu.memref_slice %arg10[%mul3A_9, %dma_wait3A] : memref<10240x16xf32, #tpu.memory_space<vmem_shared>> -> memref<640x16xf32, #tpu.memory_space<vmem_shared>>
      %dma_wait3A_28 = arith.constant 0 : i32
      %dma_wait3A_29 = tpu.memref_slice %arg10[%mul3A_9, %dma_wait3A_28] : memref<10240x16xf32, #tpu.memory_space<vmem_shared>> -> memref<640x16xf32, #tpu.memory_space<vmem_shared>>
      tpu.wait_dma2 semaphore(%run_scoped3A : memref<!tpu.dma_semaphore, #tpu.memory_space<semaphore_mem>>) src(%arg9 : memref<640x16xf32, #tpu.memory_space<vmem>>) dst(%dma_wait3A_29 : memref<640x16xf32, #tpu.memory_space<vmem_shared>>)
      tpu.yield
    }) : () -> ()
    %barrier3A = arith.constant 0 : index
    tpu.barrier barrier_id(%barrier3A)
    %scan3A = arith.constant 0 : i32
    %scan3A_10 = arith.constant 0 : i32
    %scan3A_11 = arith.constant 80 : i32
    %scan3A_12 = arith.addi %scan3A_10, %scan3A_11 : i32
    %scan3A_13 = arith.constant 1 : i32
    scf.for %scan3A_24 = %scan3A_10 to %scan3A_12 step %scan3A_13  : i32 {
      %dma_start3A = arith.constant 0 : i32
      %dma_start3A_25 = tpu.memref_slice %arg7[%scan3A_24, %dma_start3A] : memref<80x128xi32, #tpu.memory_space<vmem>> -> memref<1x128xi32, #tpu.memory_space<vmem>>
      %dma_start3A_26 = tpu.memref_squeeze %dma_start3A_25 : memref<1x128xi32, #tpu.memory_space<vmem>> -> memref<128xi32, #tpu.memory_space<vmem>>
      %dma_start3A_27 = arith.constant 0 : i32
      %dma_start3A_28 = arith.constant 0 : i32
      %dma_start3A_29 = tpu.memref_slice %arg10[%dma_start3A_27, %dma_start3A_28] : memref<10240x16xf32, #tpu.memory_space<vmem_shared>> -> memref<10240x16xf32, #tpu.memory_space<vmem_shared>>
      tpu.enqueue_indirect_dma source(%arg8 : memref<128x16xf32, #tpu.memory_space<vmem>>) target(%dma_start3A_29 : memref<10240x16xf32, #tpu.memory_space<vmem_shared>>) offsets(%dma_start3A_26 : memref<128xi32, #tpu.memory_space<vmem>>) semaphore(%arg11 : memref<!tpu.dma_semaphore, #tpu.memory_space<semaphore_mem>>) {add = true}
    }
    %scan3A_14 = arith.constant 80 : i32
    %scan3A_15 = arith.constant 0 : i32
    %scan3A_16 = arith.constant 0 : i32
    %scan3A_17 = arith.constant 80 : i32
    %scan3A_18 = arith.addi %scan3A_16, %scan3A_17 : i32
    %scan3A_19 = arith.constant 1 : i32
    scf.for %scan3A_24 = %scan3A_16 to %scan3A_18 step %scan3A_19  : i32 {
      %dma_wait3A = arith.constant 0 : i32
      %dma_wait3A_25 = tpu.memref_slice %arg7[%scan3A_24, %dma_wait3A] : memref<80x128xi32, #tpu.memory_space<vmem>> -> memref<1x128xi32, #tpu.memory_space<vmem>>
      %dma_wait3A_26 = tpu.memref_squeeze %dma_wait3A_25 : memref<1x128xi32, #tpu.memory_space<vmem>> -> memref<128xi32, #tpu.memory_space<vmem>>
      %dma_wait3A_27 = arith.constant 0 : i32
      %dma_wait3A_28 = arith.constant 0 : i32
      %dma_wait3A_29 = tpu.memref_slice %arg10[%dma_wait3A_27, %dma_wait3A_28] : memref<10240x16xf32, #tpu.memory_space<vmem_shared>> -> memref<10240x16xf32, #tpu.memory_space<vmem_shared>>
      tpu.wait_indirect_dma semaphore(%arg11 : memref<!tpu.dma_semaphore, #tpu.memory_space<semaphore_mem>>) src(%arg8 : memref<128x16xf32, #tpu.memory_space<vmem>>) dst(%dma_wait3A_29 : memref<10240x16xf32, #tpu.memory_space<vmem_shared>>)
    }
    %scan3A_20 = arith.constant 80 : i32
    %barrier3A_21 = arith.constant 0 : index
    tpu.barrier barrier_id(%barrier3A_21)
    %mul3A_22 = arith.constant 10240 : i32
    %mul3A_23 = arith.muli %arg0, %mul3A_22 : i32
    %add3A = arith.addi %mul3A_23, %mul3A_9 : i32
    "tpu.region"() ({
      %run_scoped3A = tpu.sem_alloc : memref<!tpu.dma_semaphore, #tpu.memory_space<semaphore_mem>>
      %dma_start3A = arith.constant 0 : i32
      %dma_start3A_24 = tpu.memref_slice %arg6[%add3A, %dma_start3A] : memref<20480x16xf32, #tpu.memory_space<hbm>> -> memref<640x16xf32, #tpu.memory_space<hbm>>
      %dma_start3A_25 = arith.constant 0 : i32
      %dma_start3A_26 = tpu.memref_slice %arg10[%mul3A_9, %dma_start3A_25] : memref<10240x16xf32, #tpu.memory_space<vmem_shared>> -> memref<640x16xf32, #tpu.memory_space<vmem_shared>>
      tpu.enqueue_dma source(%dma_start3A_26 : memref<640x16xf32, #tpu.memory_space<vmem_shared>>) target(%dma_start3A_24 : memref<640x16xf32, #tpu.memory_space<hbm>>) target_semaphore(%run_scoped3A : memref<!tpu.dma_semaphore, #tpu.memory_space<semaphore_mem>>)
      %dma_wait3A = arith.constant 0 : i32
      %dma_wait3A_27 = tpu.memref_slice %arg6[%add3A, %dma_wait3A] : memref<20480x16xf32, #tpu.memory_space<hbm>> -> memref<640x16xf32, #tpu.memory_space<hbm>>
      %dma_wait3A_28 = arith.constant 0 : i32
      %dma_wait3A_29 = tpu.memref_slice %arg10[%mul3A_9, %dma_wait3A_28] : memref<10240x16xf32, #tpu.memory_space<vmem_shared>> -> memref<640x16xf32, #tpu.memory_space<vmem_shared>>
      tpu.wait_dma2 semaphore(%run_scoped3A : memref<!tpu.dma_semaphore, #tpu.memory_space<semaphore_mem>>) src(%dma_wait3A_29 : memref<640x16xf32, #tpu.memory_space<vmem_shared>>) dst(%dma_wait3A_27 : memref<640x16xf32, #tpu.memory_space<hbm>>)
      tpu.yield
    }) : () -> ()
    return
  }
}

#map = affine_map<(d0, d1) -> (0, 0)>
module attributes {stable_mosaic.version = 14 : i64} {
  func.func @_scatter_body(%arg0: i32, %arg1: i32, %arg2: memref<1280x128xi32, #tpu.memory_space<hbm>>, %arg3: memref<1280x128xi32, #tpu.memory_space<hbm>>, %arg4: memref<640x128xbf16, #tpu.memory_space<hbm>>, %arg5: memref<10240x128xbf16, #tpu.memory_space<hbm>>, %arg6: memref<10240x128xbf16, #tpu.memory_space<hbm>>, %arg7: memref<10240x128xbf16, #tpu.memory_space<hbm>>, %arg8: memref<10240x128xbf16, #tpu.memory_space<hbm>>, %arg9: memref<40960x128xbf16, #tpu.memory_space<hbm>>, %arg10: memref<80x128xi32, #tpu.memory_space<vmem>>, %arg11: memref<80x128xi32, #tpu.memory_space<vmem>>, %arg12: memref<128x128xbf16, #tpu.memory_space<vmem>>, %arg13: memref<128x128xbf16, #tpu.memory_space<vmem>>, %arg14: memref<640x128xbf16, #tpu.memory_space<vmem>>, %arg15: memref<10240x128xbf16, #tpu.memory_space<vmem_shared>>, %arg16: memref<!tpu.dma_semaphore, #tpu.memory_space<semaphore_mem>>, %arg17: memref<!tpu.dma_semaphore, #tpu.memory_space<semaphore_mem>>) attributes {dimension_semantics = [#tpu.dimension_semantics<core_parallel>, #tpu.dimension_semantics<subcore_parallel>], iteration_bounds = array<i64: 2, 16>, scalar_prefetch = 0 : i64, scratch_operands = 8 : i64, tpu.core_type = #tpu.core_type<sc_vector_subcore>, window_params = [{transform_indices = #map}, {transform_indices = #map}, {transform_indices = #map}, {transform_indices = #map}, {transform_indices = #map}, {transform_indices = #map}, {transform_indices = #map}, {transform_indices = #map}]} {
    %mul3A = arith.constant 80 : i32
    %mul3A_0 = arith.muli %arg1, %mul3A : i32
    "tpu.region"() ({
      %run_scoped3A = tpu.sem_alloc : memref<!tpu.dma_semaphore, #tpu.memory_space<semaphore_mem>>
      %dma_start3A = arith.constant 0 : i32
      %dma_start3A_36 = tpu.memref_slice %arg2[%mul3A_0, %dma_start3A] : memref<1280x128xi32, #tpu.memory_space<hbm>> -> memref<80x128xi32, #tpu.memory_space<hbm>>
      %dma_start3A_37 = arith.constant 0 : i32
      %dma_start3A_38 = tpu.memref_slice %arg2[%mul3A_0, %dma_start3A_37] : memref<1280x128xi32, #tpu.memory_space<hbm>> -> memref<80x128xi32, #tpu.memory_space<hbm>>
      tpu.enqueue_dma source(%dma_start3A_38 : memref<80x128xi32, #tpu.memory_space<hbm>>) target(%arg10 : memref<80x128xi32, #tpu.memory_space<vmem>>) target_semaphore(%run_scoped3A : memref<!tpu.dma_semaphore, #tpu.memory_space<semaphore_mem>>)
      %dma_wait3A = arith.constant 0 : i32
      %dma_wait3A_39 = tpu.memref_slice %arg2[%mul3A_0, %dma_wait3A] : memref<1280x128xi32, #tpu.memory_space<hbm>> -> memref<80x128xi32, #tpu.memory_space<hbm>>
      %dma_wait3A_40 = arith.constant 0 : i32
      %dma_wait3A_41 = tpu.memref_slice %arg2[%mul3A_0, %dma_wait3A_40] : memref<1280x128xi32, #tpu.memory_space<hbm>> -> memref<80x128xi32, #tpu.memory_space<hbm>>
      tpu.wait_dma2 semaphore(%run_scoped3A : memref<!tpu.dma_semaphore, #tpu.memory_space<semaphore_mem>>) src(%dma_wait3A_41 : memref<80x128xi32, #tpu.memory_space<hbm>>) dst(%arg10 : memref<80x128xi32, #tpu.memory_space<vmem>>)
      tpu.yield
    }) : () -> ()
    "tpu.region"() ({
      %run_scoped3A = tpu.sem_alloc : memref<!tpu.dma_semaphore, #tpu.memory_space<semaphore_mem>>
      %dma_start3A = arith.constant 0 : i32
      %dma_start3A_36 = tpu.memref_slice %arg3[%mul3A_0, %dma_start3A] : memref<1280x128xi32, #tpu.memory_space<hbm>> -> memref<80x128xi32, #tpu.memory_space<hbm>>
      %dma_start3A_37 = arith.constant 0 : i32
      %dma_start3A_38 = tpu.memref_slice %arg3[%mul3A_0, %dma_start3A_37] : memref<1280x128xi32, #tpu.memory_space<hbm>> -> memref<80x128xi32, #tpu.memory_space<hbm>>
      tpu.enqueue_dma source(%dma_start3A_38 : memref<80x128xi32, #tpu.memory_space<hbm>>) target(%arg11 : memref<80x128xi32, #tpu.memory_space<vmem>>) target_semaphore(%run_scoped3A : memref<!tpu.dma_semaphore, #tpu.memory_space<semaphore_mem>>)
      %dma_wait3A = arith.constant 0 : i32
      %dma_wait3A_39 = tpu.memref_slice %arg3[%mul3A_0, %dma_wait3A] : memref<1280x128xi32, #tpu.memory_space<hbm>> -> memref<80x128xi32, #tpu.memory_space<hbm>>
      %dma_wait3A_40 = arith.constant 0 : i32
      %dma_wait3A_41 = tpu.memref_slice %arg3[%mul3A_0, %dma_wait3A_40] : memref<1280x128xi32, #tpu.memory_space<hbm>> -> memref<80x128xi32, #tpu.memory_space<hbm>>
      tpu.wait_dma2 semaphore(%run_scoped3A : memref<!tpu.dma_semaphore, #tpu.memory_space<semaphore_mem>>) src(%dma_wait3A_41 : memref<80x128xi32, #tpu.memory_space<hbm>>) dst(%arg11 : memref<80x128xi32, #tpu.memory_space<vmem>>)
      tpu.yield
    }) : () -> ()
    "tpu.region"() ({
      %run_scoped3A = tpu.sem_alloc : memref<!tpu.dma_semaphore, #tpu.memory_space<semaphore_mem>>
      tpu.enqueue_dma source(%arg4 : memref<640x128xbf16, #tpu.memory_space<hbm>>) target(%arg14 : memref<640x128xbf16, #tpu.memory_space<vmem>>) target_semaphore(%run_scoped3A : memref<!tpu.dma_semaphore, #tpu.memory_space<semaphore_mem>>)
      tpu.wait_dma2 semaphore(%run_scoped3A : memref<!tpu.dma_semaphore, #tpu.memory_space<semaphore_mem>>) src(%arg4 : memref<640x128xbf16, #tpu.memory_space<hbm>>) dst(%arg14 : memref<640x128xbf16, #tpu.memory_space<vmem>>)
      tpu.yield
    }) : () -> ()
    %mul3A_1 = arith.constant 640 : i32
    %mul3A_2 = arith.muli %arg1, %mul3A_1 : i32
    "tpu.region"() ({
      %run_scoped3A = tpu.sem_alloc : memref<!tpu.dma_semaphore, #tpu.memory_space<semaphore_mem>>
      %dma_start3A = arith.constant 0 : i32
      %dma_start3A_36 = tpu.memref_slice %arg15[%mul3A_2, %dma_start3A] : memref<10240x128xbf16, #tpu.memory_space<vmem_shared>> -> memref<640x128xbf16, #tpu.memory_space<vmem_shared>>
      %dma_start3A_37 = arith.constant 0 : i32
      %dma_start3A_38 = tpu.memref_slice %arg15[%mul3A_2, %dma_start3A_37] : memref<10240x128xbf16, #tpu.memory_space<vmem_shared>> -> memref<640x128xbf16, #tpu.memory_space<vmem_shared>>
      tpu.enqueue_dma source(%arg14 : memref<640x128xbf16, #tpu.memory_space<vmem>>) target(%dma_start3A_38 : memref<640x128xbf16, #tpu.memory_space<vmem_shared>>) target_semaphore(%run_scoped3A : memref<!tpu.dma_semaphore, #tpu.memory_space<semaphore_mem>>)
      %dma_wait3A = arith.constant 0 : i32
      %dma_wait3A_39 = tpu.memref_slice %arg15[%mul3A_2, %dma_wait3A] : memref<10240x128xbf16, #tpu.memory_space<vmem_shared>> -> memref<640x128xbf16, #tpu.memory_space<vmem_shared>>
      %dma_wait3A_40 = arith.constant 0 : i32
      %dma_wait3A_41 = tpu.memref_slice %arg15[%mul3A_2, %dma_wait3A_40] : memref<10240x128xbf16, #tpu.memory_space<vmem_shared>> -> memref<640x128xbf16, #tpu.memory_space<vmem_shared>>
      tpu.wait_dma2 semaphore(%run_scoped3A : memref<!tpu.dma_semaphore, #tpu.memory_space<semaphore_mem>>) src(%arg14 : memref<640x128xbf16, #tpu.memory_space<vmem>>) dst(%dma_wait3A_41 : memref<640x128xbf16, #tpu.memory_space<vmem_shared>>)
      tpu.yield
    }) : () -> ()
    %barrier3A = arith.constant 0 : index
    tpu.barrier barrier_id(%barrier3A)
    %eq3A = arith.constant 0 : i32
    %eq3A_3 = arith.cmpi eq, %arg0, %eq3A : i32
    %convert_element_type3A = arith.extui %eq3A_3 : i1 to i32
    %cond3A = arith.constant 0 : i32
    %cond3A_4 = arith.cmpi ne, %convert_element_type3A, %cond3A : i32
    scf.if %cond3A_4 {
      %dma_start3A = arith.constant 0 : i32
      %dma_start3A_36 = arith.constant 0 : i32
      %dma_start3A_37 = tpu.memref_slice %arg10[%dma_start3A, %dma_start3A_36] : memref<80x128xi32, #tpu.memory_space<vmem>> -> memref<1x128xi32, #tpu.memory_space<vmem>>
      %dma_start3A_38 = tpu.memref_squeeze %dma_start3A_37 : memref<1x128xi32, #tpu.memory_space<vmem>> -> memref<128xi32, #tpu.memory_space<vmem>>
      %dma_start3A_39 = arith.constant 0 : i32
      %dma_start3A_40 = arith.constant 0 : i32
      %dma_start3A_41 = tpu.memref_slice %arg5[%dma_start3A_39, %dma_start3A_40] : memref<10240x128xbf16, #tpu.memory_space<hbm>> -> memref<10240x128xbf16, #tpu.memory_space<hbm>>
      tpu.enqueue_indirect_dma source(%dma_start3A_41 : memref<10240x128xbf16, #tpu.memory_space<hbm>>) target(%arg12 : memref<128x128xbf16, #tpu.memory_space<vmem>>) offsets(%dma_start3A_38 : memref<128xi32, #tpu.memory_space<vmem>>) semaphore(%arg16 : memref<!tpu.dma_semaphore, #tpu.memory_space<semaphore_mem>>)
      %scan3A = arith.constant 0 : i32
      %scan3A_42 = arith.constant 0 : i32
      %scan3A_43 = arith.constant 40 : i32
      %scan3A_44 = arith.addi %scan3A_42, %scan3A_43 : i32
      %scan3A_45 = arith.constant 1 : i32
      scf.for %scan3A_47 = %scan3A_42 to %scan3A_44 step %scan3A_45  : i32 {
        %mul3A_48 = arith.constant 2 : i32
        %mul3A_49 = arith.muli %mul3A_48, %scan3A_47 : i32
        %add3A_50 = arith.constant 1 : i32
        %add3A_51 = arith.addi %mul3A_49, %add3A_50 : i32
        %dma_wait3A = arith.constant 0 : i32
        %dma_wait3A_52 = tpu.memref_slice %arg10[%mul3A_49, %dma_wait3A] : memref<80x128xi32, #tpu.memory_space<vmem>> -> memref<1x128xi32, #tpu.memory_space<vmem>>
        %dma_wait3A_53 = tpu.memref_squeeze %dma_wait3A_52 : memref<1x128xi32, #tpu.memory_space<vmem>> -> memref<128xi32, #tpu.memory_space<vmem>>
        %dma_wait3A_54 = arith.constant 0 : i32
        %dma_wait3A_55 = arith.constant 0 : i32
        %dma_wait3A_56 = tpu.memref_slice %arg5[%dma_wait3A_54, %dma_wait3A_55] : memref<10240x128xbf16, #tpu.memory_space<hbm>> -> memref<10240x128xbf16, #tpu.memory_space<hbm>>
        tpu.wait_indirect_dma semaphore(%arg16 : memref<!tpu.dma_semaphore, #tpu.memory_space<semaphore_mem>>) src(%dma_wait3A_56 : memref<10240x128xbf16, #tpu.memory_space<hbm>>) dst(%arg12 : memref<128x128xbf16, #tpu.memory_space<vmem>>)
        %dma_start3A_57 = arith.constant 0 : i32
        %dma_start3A_58 = tpu.memref_slice %arg10[%add3A_51, %dma_start3A_57] : memref<80x128xi32, #tpu.memory_space<vmem>> -> memref<1x128xi32, #tpu.memory_space<vmem>>
        %dma_start3A_59 = tpu.memref_squeeze %dma_start3A_58 : memref<1x128xi32, #tpu.memory_space<vmem>> -> memref<128xi32, #tpu.memory_space<vmem>>
        %dma_start3A_60 = arith.constant 0 : i32
        %dma_start3A_61 = arith.constant 0 : i32
        %dma_start3A_62 = tpu.memref_slice %arg5[%dma_start3A_60, %dma_start3A_61] : memref<10240x128xbf16, #tpu.memory_space<hbm>> -> memref<10240x128xbf16, #tpu.memory_space<hbm>>
        tpu.enqueue_indirect_dma source(%dma_start3A_62 : memref<10240x128xbf16, #tpu.memory_space<hbm>>) target(%arg13 : memref<128x128xbf16, #tpu.memory_space<vmem>>) offsets(%dma_start3A_59 : memref<128xi32, #tpu.memory_space<vmem>>) semaphore(%arg17 : memref<!tpu.dma_semaphore, #tpu.memory_space<semaphore_mem>>)
        "tpu.region"() ({
          %run_scoped3A = tpu.sem_alloc : memref<!tpu.dma_semaphore, #tpu.memory_space<semaphore_mem>>
          %dma_start3A_75 = arith.constant 0 : i32
          %dma_start3A_76 = tpu.memref_slice %arg11[%mul3A_49, %dma_start3A_75] : memref<80x128xi32, #tpu.memory_space<vmem>> -> memref<1x128xi32, #tpu.memory_space<vmem>>
          %dma_start3A_77 = tpu.memref_squeeze %dma_start3A_76 : memref<1x128xi32, #tpu.memory_space<vmem>> -> memref<128xi32, #tpu.memory_space<vmem>>
          %dma_start3A_78 = arith.constant 0 : i32
          %dma_start3A_79 = arith.constant 0 : i32
          %dma_start3A_80 = tpu.memref_slice %arg15[%dma_start3A_78, %dma_start3A_79] : memref<10240x128xbf16, #tpu.memory_space<vmem_shared>> -> memref<10240x128xbf16, #tpu.memory_space<vmem_shared>>
          tpu.enqueue_indirect_dma source(%arg12 : memref<128x128xbf16, #tpu.memory_space<vmem>>) target(%dma_start3A_80 : memref<10240x128xbf16, #tpu.memory_space<vmem_shared>>) offsets(%dma_start3A_77 : memref<128xi32, #tpu.memory_space<vmem>>) semaphore(%run_scoped3A : memref<!tpu.dma_semaphore, #tpu.memory_space<semaphore_mem>>) {add = true}
          %dma_wait3A_81 = arith.constant 0 : i32
          %dma_wait3A_82 = tpu.memref_slice %arg11[%mul3A_49, %dma_wait3A_81] : memref<80x128xi32, #tpu.memory_space<vmem>> -> memref<1x128xi32, #tpu.memory_space<vmem>>
          %dma_wait3A_83 = tpu.memref_squeeze %dma_wait3A_82 : memref<1x128xi32, #tpu.memory_space<vmem>> -> memref<128xi32, #tpu.memory_space<vmem>>
          %dma_wait3A_84 = arith.constant 0 : i32
          %dma_wait3A_85 = arith.constant 0 : i32
          %dma_wait3A_86 = tpu.memref_slice %arg15[%dma_wait3A_84, %dma_wait3A_85] : memref<10240x128xbf16, #tpu.memory_space<vmem_shared>> -> memref<10240x128xbf16, #tpu.memory_space<vmem_shared>>
          tpu.wait_indirect_dma semaphore(%run_scoped3A : memref<!tpu.dma_semaphore, #tpu.memory_space<semaphore_mem>>) src(%arg12 : memref<128x128xbf16, #tpu.memory_space<vmem>>) dst(%dma_wait3A_86 : memref<10240x128xbf16, #tpu.memory_space<vmem_shared>>)
          tpu.yield
        }) : () -> ()
        %dma_wait3A_63 = arith.constant 0 : i32
        %dma_wait3A_64 = tpu.memref_slice %arg10[%add3A_51, %dma_wait3A_63] : memref<80x128xi32, #tpu.memory_space<vmem>> -> memref<1x128xi32, #tpu.memory_space<vmem>>
        %dma_wait3A_65 = tpu.memref_squeeze %dma_wait3A_64 : memref<1x128xi32, #tpu.memory_space<vmem>> -> memref<128xi32, #tpu.memory_space<vmem>>
        %dma_wait3A_66 = arith.constant 0 : i32
        %dma_wait3A_67 = arith.constant 0 : i32
        %dma_wait3A_68 = tpu.memref_slice %arg5[%dma_wait3A_66, %dma_wait3A_67] : memref<10240x128xbf16, #tpu.memory_space<hbm>> -> memref<10240x128xbf16, #tpu.memory_space<hbm>>
        tpu.wait_indirect_dma semaphore(%arg17 : memref<!tpu.dma_semaphore, #tpu.memory_space<semaphore_mem>>) src(%dma_wait3A_68 : memref<10240x128xbf16, #tpu.memory_space<hbm>>) dst(%arg13 : memref<128x128xbf16, #tpu.memory_space<vmem>>)
        %add3A_69 = arith.constant 1 : i32
        %add3A_70 = arith.addi %add3A_51, %add3A_69 : i32
        %lt3A = arith.constant 80 : i32
        %lt3A_71 = arith.cmpi slt, %add3A_70, %lt3A : i32
        %convert_element_type3A_72 = arith.extui %lt3A_71 : i1 to i32
        %cond3A_73 = arith.constant 0 : i32
        %cond3A_74 = arith.cmpi ne, %convert_element_type3A_72, %cond3A_73 : i32
        scf.if %cond3A_74 {
          %add3A_75 = arith.constant 1 : i32
          %add3A_76 = arith.addi %add3A_51, %add3A_75 : i32
          %dma_start3A_77 = arith.constant 0 : i32
          %dma_start3A_78 = tpu.memref_slice %arg10[%add3A_76, %dma_start3A_77] : memref<80x128xi32, #tpu.memory_space<vmem>> -> memref<1x128xi32, #tpu.memory_space<vmem>>
          %dma_start3A_79 = tpu.memref_squeeze %dma_start3A_78 : memref<1x128xi32, #tpu.memory_space<vmem>> -> memref<128xi32, #tpu.memory_space<vmem>>
          %dma_start3A_80 = arith.constant 0 : i32
          %dma_start3A_81 = arith.constant 0 : i32
          %dma_start3A_82 = tpu.memref_slice %arg5[%dma_start3A_80, %dma_start3A_81] : memref<10240x128xbf16, #tpu.memory_space<hbm>> -> memref<10240x128xbf16, #tpu.memory_space<hbm>>
          tpu.enqueue_indirect_dma source(%dma_start3A_82 : memref<10240x128xbf16, #tpu.memory_space<hbm>>) target(%arg12 : memref<128x128xbf16, #tpu.memory_space<vmem>>) offsets(%dma_start3A_79 : memref<128xi32, #tpu.memory_space<vmem>>) semaphore(%arg16 : memref<!tpu.dma_semaphore, #tpu.memory_space<semaphore_mem>>)
        } else {
        }
        "tpu.region"() ({
          %run_scoped3A = tpu.sem_alloc : memref<!tpu.dma_semaphore, #tpu.memory_space<semaphore_mem>>
          %dma_start3A_75 = arith.constant 0 : i32
          %dma_start3A_76 = tpu.memref_slice %arg11[%add3A_51, %dma_start3A_75] : memref<80x128xi32, #tpu.memory_space<vmem>> -> memref<1x128xi32, #tpu.memory_space<vmem>>
          %dma_start3A_77 = tpu.memref_squeeze %dma_start3A_76 : memref<1x128xi32, #tpu.memory_space<vmem>> -> memref<128xi32, #tpu.memory_space<vmem>>
          %dma_start3A_78 = arith.constant 0 : i32
          %dma_start3A_79 = arith.constant 0 : i32
          %dma_start3A_80 = tpu.memref_slice %arg15[%dma_start3A_78, %dma_start3A_79] : memref<10240x128xbf16, #tpu.memory_space<vmem_shared>> -> memref<10240x128xbf16, #tpu.memory_space<vmem_shared>>
          tpu.enqueue_indirect_dma source(%arg13 : memref<128x128xbf16, #tpu.memory_space<vmem>>) target(%dma_start3A_80 : memref<10240x128xbf16, #tpu.memory_space<vmem_shared>>) offsets(%dma_start3A_77 : memref<128xi32, #tpu.memory_space<vmem>>) semaphore(%run_scoped3A : memref<!tpu.dma_semaphore, #tpu.memory_space<semaphore_mem>>) {add = true}
          %dma_wait3A_81 = arith.constant 0 : i32
          %dma_wait3A_82 = tpu.memref_slice %arg11[%add3A_51, %dma_wait3A_81] : memref<80x128xi32, #tpu.memory_space<vmem>> -> memref<1x128xi32, #tpu.memory_space<vmem>>
          %dma_wait3A_83 = tpu.memref_squeeze %dma_wait3A_82 : memref<1x128xi32, #tpu.memory_space<vmem>> -> memref<128xi32, #tpu.memory_space<vmem>>
          %dma_wait3A_84 = arith.constant 0 : i32
          %dma_wait3A_85 = arith.constant 0 : i32
          %dma_wait3A_86 = tpu.memref_slice %arg15[%dma_wait3A_84, %dma_wait3A_85] : memref<10240x128xbf16, #tpu.memory_space<vmem_shared>> -> memref<10240x128xbf16, #tpu.memory_space<vmem_shared>>
          tpu.wait_indirect_dma semaphore(%run_scoped3A : memref<!tpu.dma_semaphore, #tpu.memory_space<semaphore_mem>>) src(%arg13 : memref<128x128xbf16, #tpu.memory_space<vmem>>) dst(%dma_wait3A_86 : memref<10240x128xbf16, #tpu.memory_space<vmem_shared>>)
          tpu.yield
        }) : () -> ()
      }
      %scan3A_46 = arith.constant 40 : i32
    } else {
    }
    %eq3A_5 = arith.constant 1 : i32
    %eq3A_6 = arith.cmpi eq, %arg0, %eq3A_5 : i32
    %convert_element_type3A_7 = arith.extui %eq3A_6 : i1 to i32
    %cond3A_8 = arith.constant 0 : i32
    %cond3A_9 = arith.cmpi ne, %convert_element_type3A_7, %cond3A_8 : i32
    scf.if %cond3A_9 {
      %dma_start3A = arith.constant 0 : i32
      %dma_start3A_36 = arith.constant 0 : i32
      %dma_start3A_37 = tpu.memref_slice %arg10[%dma_start3A, %dma_start3A_36] : memref<80x128xi32, #tpu.memory_space<vmem>> -> memref<1x128xi32, #tpu.memory_space<vmem>>
      %dma_start3A_38 = tpu.memref_squeeze %dma_start3A_37 : memref<1x128xi32, #tpu.memory_space<vmem>> -> memref<128xi32, #tpu.memory_space<vmem>>
      %dma_start3A_39 = arith.constant 0 : i32
      %dma_start3A_40 = arith.constant 0 : i32
      %dma_start3A_41 = tpu.memref_slice %arg7[%dma_start3A_39, %dma_start3A_40] : memref<10240x128xbf16, #tpu.memory_space<hbm>> -> memref<10240x128xbf16, #tpu.memory_space<hbm>>
      tpu.enqueue_indirect_dma source(%dma_start3A_41 : memref<10240x128xbf16, #tpu.memory_space<hbm>>) target(%arg12 : memref<128x128xbf16, #tpu.memory_space<vmem>>) offsets(%dma_start3A_38 : memref<128xi32, #tpu.memory_space<vmem>>) semaphore(%arg16 : memref<!tpu.dma_semaphore, #tpu.memory_space<semaphore_mem>>)
      %scan3A = arith.constant 0 : i32
      %scan3A_42 = arith.constant 0 : i32
      %scan3A_43 = arith.constant 40 : i32
      %scan3A_44 = arith.addi %scan3A_42, %scan3A_43 : i32
      %scan3A_45 = arith.constant 1 : i32
      scf.for %scan3A_47 = %scan3A_42 to %scan3A_44 step %scan3A_45  : i32 {
        %mul3A_48 = arith.constant 2 : i32
        %mul3A_49 = arith.muli %mul3A_48, %scan3A_47 : i32
        %add3A_50 = arith.constant 1 : i32
        %add3A_51 = arith.addi %mul3A_49, %add3A_50 : i32
        %dma_wait3A = arith.constant 0 : i32
        %dma_wait3A_52 = tpu.memref_slice %arg10[%mul3A_49, %dma_wait3A] : memref<80x128xi32, #tpu.memory_space<vmem>> -> memref<1x128xi32, #tpu.memory_space<vmem>>
        %dma_wait3A_53 = tpu.memref_squeeze %dma_wait3A_52 : memref<1x128xi32, #tpu.memory_space<vmem>> -> memref<128xi32, #tpu.memory_space<vmem>>
        %dma_wait3A_54 = arith.constant 0 : i32
        %dma_wait3A_55 = arith.constant 0 : i32
        %dma_wait3A_56 = tpu.memref_slice %arg7[%dma_wait3A_54, %dma_wait3A_55] : memref<10240x128xbf16, #tpu.memory_space<hbm>> -> memref<10240x128xbf16, #tpu.memory_space<hbm>>
        tpu.wait_indirect_dma semaphore(%arg16 : memref<!tpu.dma_semaphore, #tpu.memory_space<semaphore_mem>>) src(%dma_wait3A_56 : memref<10240x128xbf16, #tpu.memory_space<hbm>>) dst(%arg12 : memref<128x128xbf16, #tpu.memory_space<vmem>>)
        %dma_start3A_57 = arith.constant 0 : i32
        %dma_start3A_58 = tpu.memref_slice %arg10[%add3A_51, %dma_start3A_57] : memref<80x128xi32, #tpu.memory_space<vmem>> -> memref<1x128xi32, #tpu.memory_space<vmem>>
        %dma_start3A_59 = tpu.memref_squeeze %dma_start3A_58 : memref<1x128xi32, #tpu.memory_space<vmem>> -> memref<128xi32, #tpu.memory_space<vmem>>
        %dma_start3A_60 = arith.constant 0 : i32
        %dma_start3A_61 = arith.constant 0 : i32
        %dma_start3A_62 = tpu.memref_slice %arg7[%dma_start3A_60, %dma_start3A_61] : memref<10240x128xbf16, #tpu.memory_space<hbm>> -> memref<10240x128xbf16, #tpu.memory_space<hbm>>
        tpu.enqueue_indirect_dma source(%dma_start3A_62 : memref<10240x128xbf16, #tpu.memory_space<hbm>>) target(%arg13 : memref<128x128xbf16, #tpu.memory_space<vmem>>) offsets(%dma_start3A_59 : memref<128xi32, #tpu.memory_space<vmem>>) semaphore(%arg17 : memref<!tpu.dma_semaphore, #tpu.memory_space<semaphore_mem>>)
        "tpu.region"() ({
          %run_scoped3A = tpu.sem_alloc : memref<!tpu.dma_semaphore, #tpu.memory_space<semaphore_mem>>
          %dma_start3A_75 = arith.constant 0 : i32
          %dma_start3A_76 = tpu.memref_slice %arg11[%mul3A_49, %dma_start3A_75] : memref<80x128xi32, #tpu.memory_space<vmem>> -> memref<1x128xi32, #tpu.memory_space<vmem>>
          %dma_start3A_77 = tpu.memref_squeeze %dma_start3A_76 : memref<1x128xi32, #tpu.memory_space<vmem>> -> memref<128xi32, #tpu.memory_space<vmem>>
          %dma_start3A_78 = arith.constant 0 : i32
          %dma_start3A_79 = arith.constant 0 : i32
          %dma_start3A_80 = tpu.memref_slice %arg15[%dma_start3A_78, %dma_start3A_79] : memref<10240x128xbf16, #tpu.memory_space<vmem_shared>> -> memref<10240x128xbf16, #tpu.memory_space<vmem_shared>>
          tpu.enqueue_indirect_dma source(%arg12 : memref<128x128xbf16, #tpu.memory_space<vmem>>) target(%dma_start3A_80 : memref<10240x128xbf16, #tpu.memory_space<vmem_shared>>) offsets(%dma_start3A_77 : memref<128xi32, #tpu.memory_space<vmem>>) semaphore(%run_scoped3A : memref<!tpu.dma_semaphore, #tpu.memory_space<semaphore_mem>>) {add = true}
          %dma_wait3A_81 = arith.constant 0 : i32
          %dma_wait3A_82 = tpu.memref_slice %arg11[%mul3A_49, %dma_wait3A_81] : memref<80x128xi32, #tpu.memory_space<vmem>> -> memref<1x128xi32, #tpu.memory_space<vmem>>
          %dma_wait3A_83 = tpu.memref_squeeze %dma_wait3A_82 : memref<1x128xi32, #tpu.memory_space<vmem>> -> memref<128xi32, #tpu.memory_space<vmem>>
          %dma_wait3A_84 = arith.constant 0 : i32
          %dma_wait3A_85 = arith.constant 0 : i32
          %dma_wait3A_86 = tpu.memref_slice %arg15[%dma_wait3A_84, %dma_wait3A_85] : memref<10240x128xbf16, #tpu.memory_space<vmem_shared>> -> memref<10240x128xbf16, #tpu.memory_space<vmem_shared>>
          tpu.wait_indirect_dma semaphore(%run_scoped3A : memref<!tpu.dma_semaphore, #tpu.memory_space<semaphore_mem>>) src(%arg12 : memref<128x128xbf16, #tpu.memory_space<vmem>>) dst(%dma_wait3A_86 : memref<10240x128xbf16, #tpu.memory_space<vmem_shared>>)
          tpu.yield
        }) : () -> ()
        %dma_wait3A_63 = arith.constant 0 : i32
        %dma_wait3A_64 = tpu.memref_slice %arg10[%add3A_51, %dma_wait3A_63] : memref<80x128xi32, #tpu.memory_space<vmem>> -> memref<1x128xi32, #tpu.memory_space<vmem>>
        %dma_wait3A_65 = tpu.memref_squeeze %dma_wait3A_64 : memref<1x128xi32, #tpu.memory_space<vmem>> -> memref<128xi32, #tpu.memory_space<vmem>>
        %dma_wait3A_66 = arith.constant 0 : i32
        %dma_wait3A_67 = arith.constant 0 : i32
        %dma_wait3A_68 = tpu.memref_slice %arg7[%dma_wait3A_66, %dma_wait3A_67] : memref<10240x128xbf16, #tpu.memory_space<hbm>> -> memref<10240x128xbf16, #tpu.memory_space<hbm>>
        tpu.wait_indirect_dma semaphore(%arg17 : memref<!tpu.dma_semaphore, #tpu.memory_space<semaphore_mem>>) src(%dma_wait3A_68 : memref<10240x128xbf16, #tpu.memory_space<hbm>>) dst(%arg13 : memref<128x128xbf16, #tpu.memory_space<vmem>>)
        %add3A_69 = arith.constant 1 : i32
        %add3A_70 = arith.addi %add3A_51, %add3A_69 : i32
        %lt3A = arith.constant 80 : i32
        %lt3A_71 = arith.cmpi slt, %add3A_70, %lt3A : i32
        %convert_element_type3A_72 = arith.extui %lt3A_71 : i1 to i32
        %cond3A_73 = arith.constant 0 : i32
        %cond3A_74 = arith.cmpi ne, %convert_element_type3A_72, %cond3A_73 : i32
        scf.if %cond3A_74 {
          %add3A_75 = arith.constant 1 : i32
          %add3A_76 = arith.addi %add3A_51, %add3A_75 : i32
          %dma_start3A_77 = arith.constant 0 : i32
          %dma_start3A_78 = tpu.memref_slice %arg10[%add3A_76, %dma_start3A_77] : memref<80x128xi32, #tpu.memory_space<vmem>> -> memref<1x128xi32, #tpu.memory_space<vmem>>
          %dma_start3A_79 = tpu.memref_squeeze %dma_start3A_78 : memref<1x128xi32, #tpu.memory_space<vmem>> -> memref<128xi32, #tpu.memory_space<vmem>>
          %dma_start3A_80 = arith.constant 0 : i32
          %dma_start3A_81 = arith.constant 0 : i32
          %dma_start3A_82 = tpu.memref_slice %arg7[%dma_start3A_80, %dma_start3A_81] : memref<10240x128xbf16, #tpu.memory_space<hbm>> -> memref<10240x128xbf16, #tpu.memory_space<hbm>>
          tpu.enqueue_indirect_dma source(%dma_start3A_82 : memref<10240x128xbf16, #tpu.memory_space<hbm>>) target(%arg12 : memref<128x128xbf16, #tpu.memory_space<vmem>>) offsets(%dma_start3A_79 : memref<128xi32, #tpu.memory_space<vmem>>) semaphore(%arg16 : memref<!tpu.dma_semaphore, #tpu.memory_space<semaphore_mem>>)
        } else {
        }
        "tpu.region"() ({
          %run_scoped3A = tpu.sem_alloc : memref<!tpu.dma_semaphore, #tpu.memory_space<semaphore_mem>>
          %dma_start3A_75 = arith.constant 0 : i32
          %dma_start3A_76 = tpu.memref_slice %arg11[%add3A_51, %dma_start3A_75] : memref<80x128xi32, #tpu.memory_space<vmem>> -> memref<1x128xi32, #tpu.memory_space<vmem>>
          %dma_start3A_77 = tpu.memref_squeeze %dma_start3A_76 : memref<1x128xi32, #tpu.memory_space<vmem>> -> memref<128xi32, #tpu.memory_space<vmem>>
          %dma_start3A_78 = arith.constant 0 : i32
          %dma_start3A_79 = arith.constant 0 : i32
          %dma_start3A_80 = tpu.memref_slice %arg15[%dma_start3A_78, %dma_start3A_79] : memref<10240x128xbf16, #tpu.memory_space<vmem_shared>> -> memref<10240x128xbf16, #tpu.memory_space<vmem_shared>>
          tpu.enqueue_indirect_dma source(%arg13 : memref<128x128xbf16, #tpu.memory_space<vmem>>) target(%dma_start3A_80 : memref<10240x128xbf16, #tpu.memory_space<vmem_shared>>) offsets(%dma_start3A_77 : memref<128xi32, #tpu.memory_space<vmem>>) semaphore(%run_scoped3A : memref<!tpu.dma_semaphore, #tpu.memory_space<semaphore_mem>>) {add = true}
          %dma_wait3A_81 = arith.constant 0 : i32
          %dma_wait3A_82 = tpu.memref_slice %arg11[%add3A_51, %dma_wait3A_81] : memref<80x128xi32, #tpu.memory_space<vmem>> -> memref<1x128xi32, #tpu.memory_space<vmem>>
          %dma_wait3A_83 = tpu.memref_squeeze %dma_wait3A_82 : memref<1x128xi32, #tpu.memory_space<vmem>> -> memref<128xi32, #tpu.memory_space<vmem>>
          %dma_wait3A_84 = arith.constant 0 : i32
          %dma_wait3A_85 = arith.constant 0 : i32
          %dma_wait3A_86 = tpu.memref_slice %arg15[%dma_wait3A_84, %dma_wait3A_85] : memref<10240x128xbf16, #tpu.memory_space<vmem_shared>> -> memref<10240x128xbf16, #tpu.memory_space<vmem_shared>>
          tpu.wait_indirect_dma semaphore(%run_scoped3A : memref<!tpu.dma_semaphore, #tpu.memory_space<semaphore_mem>>) src(%arg13 : memref<128x128xbf16, #tpu.memory_space<vmem>>) dst(%dma_wait3A_86 : memref<10240x128xbf16, #tpu.memory_space<vmem_shared>>)
          tpu.yield
        }) : () -> ()
      }
      %scan3A_46 = arith.constant 40 : i32
    } else {
    }
    %barrier3A_10 = arith.constant 0 : index
    tpu.barrier barrier_id(%barrier3A_10)
    %mul3A_11 = arith.constant 2 : i32
    %mul3A_12 = arith.muli %arg0, %mul3A_11 : i32
    %add3A = arith.constant 0 : i32
    %add3A_13 = arith.addi %mul3A_12, %add3A : i32
    %mul3A_14 = arith.constant 10240 : i32
    %mul3A_15 = arith.muli %add3A_13, %mul3A_14 : i32
    %add3A_16 = arith.addi %mul3A_15, %mul3A_2 : i32
    "tpu.region"() ({
      %run_scoped3A = tpu.sem_alloc : memref<!tpu.dma_semaphore, #tpu.memory_space<semaphore_mem>>
      %dma_start3A = arith.constant 0 : i32
      %dma_start3A_36 = tpu.memref_slice %arg9[%add3A_16, %dma_start3A] : memref<40960x128xbf16, #tpu.memory_space<hbm>> -> memref<640x128xbf16, #tpu.memory_space<hbm>>
      %dma_start3A_37 = arith.constant 0 : i32
      %dma_start3A_38 = tpu.memref_slice %arg15[%mul3A_2, %dma_start3A_37] : memref<10240x128xbf16, #tpu.memory_space<vmem_shared>> -> memref<640x128xbf16, #tpu.memory_space<vmem_shared>>
      tpu.enqueue_dma source(%dma_start3A_38 : memref<640x128xbf16, #tpu.memory_space<vmem_shared>>) target(%dma_start3A_36 : memref<640x128xbf16, #tpu.memory_space<hbm>>) target_semaphore(%run_scoped3A : memref<!tpu.dma_semaphore, #tpu.memory_space<semaphore_mem>>)
      %dma_wait3A = arith.constant 0 : i32
      %dma_wait3A_39 = tpu.memref_slice %arg9[%add3A_16, %dma_wait3A] : memref<40960x128xbf16, #tpu.memory_space<hbm>> -> memref<640x128xbf16, #tpu.memory_space<hbm>>
      %dma_wait3A_40 = arith.constant 0 : i32
      %dma_wait3A_41 = tpu.memref_slice %arg15[%mul3A_2, %dma_wait3A_40] : memref<10240x128xbf16, #tpu.memory_space<vmem_shared>> -> memref<640x128xbf16, #tpu.memory_space<vmem_shared>>
      tpu.wait_dma2 semaphore(%run_scoped3A : memref<!tpu.dma_semaphore, #tpu.memory_space<semaphore_mem>>) src(%dma_wait3A_41 : memref<640x128xbf16, #tpu.memory_space<vmem_shared>>) dst(%dma_wait3A_39 : memref<640x128xbf16, #tpu.memory_space<hbm>>)
      tpu.yield
    }) : () -> ()
    "tpu.region"() ({
      %run_scoped3A = tpu.sem_alloc : memref<!tpu.dma_semaphore, #tpu.memory_space<semaphore_mem>>
      %dma_start3A = arith.constant 0 : i32
      %dma_start3A_36 = tpu.memref_slice %arg15[%mul3A_2, %dma_start3A] : memref<10240x128xbf16, #tpu.memory_space<vmem_shared>> -> memref<640x128xbf16, #tpu.memory_space<vmem_shared>>
      %dma_start3A_37 = arith.constant 0 : i32
      %dma_start3A_38 = tpu.memref_slice %arg15[%mul3A_2, %dma_start3A_37] : memref<10240x128xbf16, #tpu.memory_space<vmem_shared>> -> memref<640x128xbf16, #tpu.memory_space<vmem_shared>>
      tpu.enqueue_dma source(%arg14 : memref<640x128xbf16, #tpu.memory_space<vmem>>) target(%dma_start3A_38 : memref<640x128xbf16, #tpu.memory_space<vmem_shared>>) target_semaphore(%run_scoped3A : memref<!tpu.dma_semaphore, #tpu.memory_space<semaphore_mem>>)
      %dma_wait3A = arith.constant 0 : i32
      %dma_wait3A_39 = tpu.memref_slice %arg15[%mul3A_2, %dma_wait3A] : memref<10240x128xbf16, #tpu.memory_space<vmem_shared>> -> memref<640x128xbf16, #tpu.memory_space<vmem_shared>>
      %dma_wait3A_40 = arith.constant 0 : i32
      %dma_wait3A_41 = tpu.memref_slice %arg15[%mul3A_2, %dma_wait3A_40] : memref<10240x128xbf16, #tpu.memory_space<vmem_shared>> -> memref<640x128xbf16, #tpu.memory_space<vmem_shared>>
      tpu.wait_dma2 semaphore(%run_scoped3A : memref<!tpu.dma_semaphore, #tpu.memory_space<semaphore_mem>>) src(%arg14 : memref<640x128xbf16, #tpu.memory_space<vmem>>) dst(%dma_wait3A_41 : memref<640x128xbf16, #tpu.memory_space<vmem_shared>>)
      tpu.yield
    }) : () -> ()
    %barrier3A_17 = arith.constant 0 : index
    tpu.barrier barrier_id(%barrier3A_17)
    %eq3A_18 = arith.constant 0 : i32
    %eq3A_19 = arith.cmpi eq, %arg0, %eq3A_18 : i32
    %convert_element_type3A_20 = arith.extui %eq3A_19 : i1 to i32
    %cond3A_21 = arith.constant 0 : i32
    %cond3A_22 = arith.cmpi ne, %convert_element_type3A_20, %cond3A_21 : i32
    scf.if %cond3A_22 {
      %dma_start3A = arith.constant 0 : i32
      %dma_start3A_36 = arith.constant 0 : i32
      %dma_start3A_37 = tpu.memref_slice %arg10[%dma_start3A, %dma_start3A_36] : memref<80x128xi32, #tpu.memory_space<vmem>> -> memref<1x128xi32, #tpu.memory_space<vmem>>
      %dma_start3A_38 = tpu.memref_squeeze %dma_start3A_37 : memref<1x128xi32, #tpu.memory_space<vmem>> -> memref<128xi32, #tpu.memory_space<vmem>>
      %dma_start3A_39 = arith.constant 0 : i32
      %dma_start3A_40 = arith.constant 0 : i32
      %dma_start3A_41 = tpu.memref_slice %arg6[%dma_start3A_39, %dma_start3A_40] : memref<10240x128xbf16, #tpu.memory_space<hbm>> -> memref<10240x128xbf16, #tpu.memory_space<hbm>>
      tpu.enqueue_indirect_dma source(%dma_start3A_41 : memref<10240x128xbf16, #tpu.memory_space<hbm>>) target(%arg12 : memref<128x128xbf16, #tpu.memory_space<vmem>>) offsets(%dma_start3A_38 : memref<128xi32, #tpu.memory_space<vmem>>) semaphore(%arg16 : memref<!tpu.dma_semaphore, #tpu.memory_space<semaphore_mem>>)
      %scan3A = arith.constant 0 : i32
      %scan3A_42 = arith.constant 0 : i32
      %scan3A_43 = arith.constant 40 : i32
      %scan3A_44 = arith.addi %scan3A_42, %scan3A_43 : i32
      %scan3A_45 = arith.constant 1 : i32
      scf.for %scan3A_47 = %scan3A_42 to %scan3A_44 step %scan3A_45  : i32 {
        %mul3A_48 = arith.constant 2 : i32
        %mul3A_49 = arith.muli %mul3A_48, %scan3A_47 : i32
        %add3A_50 = arith.constant 1 : i32
        %add3A_51 = arith.addi %mul3A_49, %add3A_50 : i32
        %dma_wait3A = arith.constant 0 : i32
        %dma_wait3A_52 = tpu.memref_slice %arg10[%mul3A_49, %dma_wait3A] : memref<80x128xi32, #tpu.memory_space<vmem>> -> memref<1x128xi32, #tpu.memory_space<vmem>>
        %dma_wait3A_53 = tpu.memref_squeeze %dma_wait3A_52 : memref<1x128xi32, #tpu.memory_space<vmem>> -> memref<128xi32, #tpu.memory_space<vmem>>
        %dma_wait3A_54 = arith.constant 0 : i32
        %dma_wait3A_55 = arith.constant 0 : i32
        %dma_wait3A_56 = tpu.memref_slice %arg6[%dma_wait3A_54, %dma_wait3A_55] : memref<10240x128xbf16, #tpu.memory_space<hbm>> -> memref<10240x128xbf16, #tpu.memory_space<hbm>>
        tpu.wait_indirect_dma semaphore(%arg16 : memref<!tpu.dma_semaphore, #tpu.memory_space<semaphore_mem>>) src(%dma_wait3A_56 : memref<10240x128xbf16, #tpu.memory_space<hbm>>) dst(%arg12 : memref<128x128xbf16, #tpu.memory_space<vmem>>)
        %dma_start3A_57 = arith.constant 0 : i32
        %dma_start3A_58 = tpu.memref_slice %arg10[%add3A_51, %dma_start3A_57] : memref<80x128xi32, #tpu.memory_space<vmem>> -> memref<1x128xi32, #tpu.memory_space<vmem>>
        %dma_start3A_59 = tpu.memref_squeeze %dma_start3A_58 : memref<1x128xi32, #tpu.memory_space<vmem>> -> memref<128xi32, #tpu.memory_space<vmem>>
        %dma_start3A_60 = arith.constant 0 : i32
        %dma_start3A_61 = arith.constant 0 : i32
        %dma_start3A_62 = tpu.memref_slice %arg6[%dma_start3A_60, %dma_start3A_61] : memref<10240x128xbf16, #tpu.memory_space<hbm>> -> memref<10240x128xbf16, #tpu.memory_space<hbm>>
        tpu.enqueue_indirect_dma source(%dma_start3A_62 : memref<10240x128xbf16, #tpu.memory_space<hbm>>) target(%arg13 : memref<128x128xbf16, #tpu.memory_space<vmem>>) offsets(%dma_start3A_59 : memref<128xi32, #tpu.memory_space<vmem>>) semaphore(%arg17 : memref<!tpu.dma_semaphore, #tpu.memory_space<semaphore_mem>>)
        "tpu.region"() ({
          %run_scoped3A = tpu.sem_alloc : memref<!tpu.dma_semaphore, #tpu.memory_space<semaphore_mem>>
          %dma_start3A_75 = arith.constant 0 : i32
          %dma_start3A_76 = tpu.memref_slice %arg11[%mul3A_49, %dma_start3A_75] : memref<80x128xi32, #tpu.memory_space<vmem>> -> memref<1x128xi32, #tpu.memory_space<vmem>>
          %dma_start3A_77 = tpu.memref_squeeze %dma_start3A_76 : memref<1x128xi32, #tpu.memory_space<vmem>> -> memref<128xi32, #tpu.memory_space<vmem>>
          %dma_start3A_78 = arith.constant 0 : i32
          %dma_start3A_79 = arith.constant 0 : i32
          %dma_start3A_80 = tpu.memref_slice %arg15[%dma_start3A_78, %dma_start3A_79] : memref<10240x128xbf16, #tpu.memory_space<vmem_shared>> -> memref<10240x128xbf16, #tpu.memory_space<vmem_shared>>
          tpu.enqueue_indirect_dma source(%arg12 : memref<128x128xbf16, #tpu.memory_space<vmem>>) target(%dma_start3A_80 : memref<10240x128xbf16, #tpu.memory_space<vmem_shared>>) offsets(%dma_start3A_77 : memref<128xi32, #tpu.memory_space<vmem>>) semaphore(%run_scoped3A : memref<!tpu.dma_semaphore, #tpu.memory_space<semaphore_mem>>) {add = true}
          %dma_wait3A_81 = arith.constant 0 : i32
          %dma_wait3A_82 = tpu.memref_slice %arg11[%mul3A_49, %dma_wait3A_81] : memref<80x128xi32, #tpu.memory_space<vmem>> -> memref<1x128xi32, #tpu.memory_space<vmem>>
          %dma_wait3A_83 = tpu.memref_squeeze %dma_wait3A_82 : memref<1x128xi32, #tpu.memory_space<vmem>> -> memref<128xi32, #tpu.memory_space<vmem>>
          %dma_wait3A_84 = arith.constant 0 : i32
          %dma_wait3A_85 = arith.constant 0 : i32
          %dma_wait3A_86 = tpu.memref_slice %arg15[%dma_wait3A_84, %dma_wait3A_85] : memref<10240x128xbf16, #tpu.memory_space<vmem_shared>> -> memref<10240x128xbf16, #tpu.memory_space<vmem_shared>>
          tpu.wait_indirect_dma semaphore(%run_scoped3A : memref<!tpu.dma_semaphore, #tpu.memory_space<semaphore_mem>>) src(%arg12 : memref<128x128xbf16, #tpu.memory_space<vmem>>) dst(%dma_wait3A_86 : memref<10240x128xbf16, #tpu.memory_space<vmem_shared>>)
          tpu.yield
        }) : () -> ()
        %dma_wait3A_63 = arith.constant 0 : i32
        %dma_wait3A_64 = tpu.memref_slice %arg10[%add3A_51, %dma_wait3A_63] : memref<80x128xi32, #tpu.memory_space<vmem>> -> memref<1x128xi32, #tpu.memory_space<vmem>>
        %dma_wait3A_65 = tpu.memref_squeeze %dma_wait3A_64 : memref<1x128xi32, #tpu.memory_space<vmem>> -> memref<128xi32, #tpu.memory_space<vmem>>
        %dma_wait3A_66 = arith.constant 0 : i32
        %dma_wait3A_67 = arith.constant 0 : i32
        %dma_wait3A_68 = tpu.memref_slice %arg6[%dma_wait3A_66, %dma_wait3A_67] : memref<10240x128xbf16, #tpu.memory_space<hbm>> -> memref<10240x128xbf16, #tpu.memory_space<hbm>>
        tpu.wait_indirect_dma semaphore(%arg17 : memref<!tpu.dma_semaphore, #tpu.memory_space<semaphore_mem>>) src(%dma_wait3A_68 : memref<10240x128xbf16, #tpu.memory_space<hbm>>) dst(%arg13 : memref<128x128xbf16, #tpu.memory_space<vmem>>)
        %add3A_69 = arith.constant 1 : i32
        %add3A_70 = arith.addi %add3A_51, %add3A_69 : i32
        %lt3A = arith.constant 80 : i32
        %lt3A_71 = arith.cmpi slt, %add3A_70, %lt3A : i32
        %convert_element_type3A_72 = arith.extui %lt3A_71 : i1 to i32
        %cond3A_73 = arith.constant 0 : i32
        %cond3A_74 = arith.cmpi ne, %convert_element_type3A_72, %cond3A_73 : i32
        scf.if %cond3A_74 {
          %add3A_75 = arith.constant 1 : i32
          %add3A_76 = arith.addi %add3A_51, %add3A_75 : i32
          %dma_start3A_77 = arith.constant 0 : i32
          %dma_start3A_78 = tpu.memref_slice %arg10[%add3A_76, %dma_start3A_77] : memref<80x128xi32, #tpu.memory_space<vmem>> -> memref<1x128xi32, #tpu.memory_space<vmem>>
          %dma_start3A_79 = tpu.memref_squeeze %dma_start3A_78 : memref<1x128xi32, #tpu.memory_space<vmem>> -> memref<128xi32, #tpu.memory_space<vmem>>
          %dma_start3A_80 = arith.constant 0 : i32
          %dma_start3A_81 = arith.constant 0 : i32
          %dma_start3A_82 = tpu.memref_slice %arg6[%dma_start3A_80, %dma_start3A_81] : memref<10240x128xbf16, #tpu.memory_space<hbm>> -> memref<10240x128xbf16, #tpu.memory_space<hbm>>
          tpu.enqueue_indirect_dma source(%dma_start3A_82 : memref<10240x128xbf16, #tpu.memory_space<hbm>>) target(%arg12 : memref<128x128xbf16, #tpu.memory_space<vmem>>) offsets(%dma_start3A_79 : memref<128xi32, #tpu.memory_space<vmem>>) semaphore(%arg16 : memref<!tpu.dma_semaphore, #tpu.memory_space<semaphore_mem>>)
        } else {
        }
        "tpu.region"() ({
          %run_scoped3A = tpu.sem_alloc : memref<!tpu.dma_semaphore, #tpu.memory_space<semaphore_mem>>
          %dma_start3A_75 = arith.constant 0 : i32
          %dma_start3A_76 = tpu.memref_slice %arg11[%add3A_51, %dma_start3A_75] : memref<80x128xi32, #tpu.memory_space<vmem>> -> memref<1x128xi32, #tpu.memory_space<vmem>>
          %dma_start3A_77 = tpu.memref_squeeze %dma_start3A_76 : memref<1x128xi32, #tpu.memory_space<vmem>> -> memref<128xi32, #tpu.memory_space<vmem>>
          %dma_start3A_78 = arith.constant 0 : i32
          %dma_start3A_79 = arith.constant 0 : i32
          %dma_start3A_80 = tpu.memref_slice %arg15[%dma_start3A_78, %dma_start3A_79] : memref<10240x128xbf16, #tpu.memory_space<vmem_shared>> -> memref<10240x128xbf16, #tpu.memory_space<vmem_shared>>
          tpu.enqueue_indirect_dma source(%arg13 : memref<128x128xbf16, #tpu.memory_space<vmem>>) target(%dma_start3A_80 : memref<10240x128xbf16, #tpu.memory_space<vmem_shared>>) offsets(%dma_start3A_77 : memref<128xi32, #tpu.memory_space<vmem>>) semaphore(%run_scoped3A : memref<!tpu.dma_semaphore, #tpu.memory_space<semaphore_mem>>) {add = true}
          %dma_wait3A_81 = arith.constant 0 : i32
          %dma_wait3A_82 = tpu.memref_slice %arg11[%add3A_51, %dma_wait3A_81] : memref<80x128xi32, #tpu.memory_space<vmem>> -> memref<1x128xi32, #tpu.memory_space<vmem>>
          %dma_wait3A_83 = tpu.memref_squeeze %dma_wait3A_82 : memref<1x128xi32, #tpu.memory_space<vmem>> -> memref<128xi32, #tpu.memory_space<vmem>>
          %dma_wait3A_84 = arith.constant 0 : i32
          %dma_wait3A_85 = arith.constant 0 : i32
          %dma_wait3A_86 = tpu.memref_slice %arg15[%dma_wait3A_84, %dma_wait3A_85] : memref<10240x128xbf16, #tpu.memory_space<vmem_shared>> -> memref<10240x128xbf16, #tpu.memory_space<vmem_shared>>
          tpu.wait_indirect_dma semaphore(%run_scoped3A : memref<!tpu.dma_semaphore, #tpu.memory_space<semaphore_mem>>) src(%arg13 : memref<128x128xbf16, #tpu.memory_space<vmem>>) dst(%dma_wait3A_86 : memref<10240x128xbf16, #tpu.memory_space<vmem_shared>>)
          tpu.yield
        }) : () -> ()
      }
      %scan3A_46 = arith.constant 40 : i32
    } else {
    }
    %eq3A_23 = arith.constant 1 : i32
    %eq3A_24 = arith.cmpi eq, %arg0, %eq3A_23 : i32
    %convert_element_type3A_25 = arith.extui %eq3A_24 : i1 to i32
    %cond3A_26 = arith.constant 0 : i32
    %cond3A_27 = arith.cmpi ne, %convert_element_type3A_25, %cond3A_26 : i32
    scf.if %cond3A_27 {
      %dma_start3A = arith.constant 0 : i32
      %dma_start3A_36 = arith.constant 0 : i32
      %dma_start3A_37 = tpu.memref_slice %arg10[%dma_start3A, %dma_start3A_36] : memref<80x128xi32, #tpu.memory_space<vmem>> -> memref<1x128xi32, #tpu.memory_space<vmem>>
      %dma_start3A_38 = tpu.memref_squeeze %dma_start3A_37 : memref<1x128xi32, #tpu.memory_space<vmem>> -> memref<128xi32, #tpu.memory_space<vmem>>
      %dma_start3A_39 = arith.constant 0 : i32
      %dma_start3A_40 = arith.constant 0 : i32
      %dma_start3A_41 = tpu.memref_slice %arg8[%dma_start3A_39, %dma_start3A_40] : memref<10240x128xbf16, #tpu.memory_space<hbm>> -> memref<10240x128xbf16, #tpu.memory_space<hbm>>
      tpu.enqueue_indirect_dma source(%dma_start3A_41 : memref<10240x128xbf16, #tpu.memory_space<hbm>>) target(%arg12 : memref<128x128xbf16, #tpu.memory_space<vmem>>) offsets(%dma_start3A_38 : memref<128xi32, #tpu.memory_space<vmem>>) semaphore(%arg16 : memref<!tpu.dma_semaphore, #tpu.memory_space<semaphore_mem>>)
      %scan3A = arith.constant 0 : i32
      %scan3A_42 = arith.constant 0 : i32
      %scan3A_43 = arith.constant 40 : i32
      %scan3A_44 = arith.addi %scan3A_42, %scan3A_43 : i32
      %scan3A_45 = arith.constant 1 : i32
      scf.for %scan3A_47 = %scan3A_42 to %scan3A_44 step %scan3A_45  : i32 {
        %mul3A_48 = arith.constant 2 : i32
        %mul3A_49 = arith.muli %mul3A_48, %scan3A_47 : i32
        %add3A_50 = arith.constant 1 : i32
        %add3A_51 = arith.addi %mul3A_49, %add3A_50 : i32
        %dma_wait3A = arith.constant 0 : i32
        %dma_wait3A_52 = tpu.memref_slice %arg10[%mul3A_49, %dma_wait3A] : memref<80x128xi32, #tpu.memory_space<vmem>> -> memref<1x128xi32, #tpu.memory_space<vmem>>
        %dma_wait3A_53 = tpu.memref_squeeze %dma_wait3A_52 : memref<1x128xi32, #tpu.memory_space<vmem>> -> memref<128xi32, #tpu.memory_space<vmem>>
        %dma_wait3A_54 = arith.constant 0 : i32
        %dma_wait3A_55 = arith.constant 0 : i32
        %dma_wait3A_56 = tpu.memref_slice %arg8[%dma_wait3A_54, %dma_wait3A_55] : memref<10240x128xbf16, #tpu.memory_space<hbm>> -> memref<10240x128xbf16, #tpu.memory_space<hbm>>
        tpu.wait_indirect_dma semaphore(%arg16 : memref<!tpu.dma_semaphore, #tpu.memory_space<semaphore_mem>>) src(%dma_wait3A_56 : memref<10240x128xbf16, #tpu.memory_space<hbm>>) dst(%arg12 : memref<128x128xbf16, #tpu.memory_space<vmem>>)
        %dma_start3A_57 = arith.constant 0 : i32
        %dma_start3A_58 = tpu.memref_slice %arg10[%add3A_51, %dma_start3A_57] : memref<80x128xi32, #tpu.memory_space<vmem>> -> memref<1x128xi32, #tpu.memory_space<vmem>>
        %dma_start3A_59 = tpu.memref_squeeze %dma_start3A_58 : memref<1x128xi32, #tpu.memory_space<vmem>> -> memref<128xi32, #tpu.memory_space<vmem>>
        %dma_start3A_60 = arith.constant 0 : i32
        %dma_start3A_61 = arith.constant 0 : i32
        %dma_start3A_62 = tpu.memref_slice %arg8[%dma_start3A_60, %dma_start3A_61] : memref<10240x128xbf16, #tpu.memory_space<hbm>> -> memref<10240x128xbf16, #tpu.memory_space<hbm>>
        tpu.enqueue_indirect_dma source(%dma_start3A_62 : memref<10240x128xbf16, #tpu.memory_space<hbm>>) target(%arg13 : memref<128x128xbf16, #tpu.memory_space<vmem>>) offsets(%dma_start3A_59 : memref<128xi32, #tpu.memory_space<vmem>>) semaphore(%arg17 : memref<!tpu.dma_semaphore, #tpu.memory_space<semaphore_mem>>)
        "tpu.region"() ({
          %run_scoped3A = tpu.sem_alloc : memref<!tpu.dma_semaphore, #tpu.memory_space<semaphore_mem>>
          %dma_start3A_75 = arith.constant 0 : i32
          %dma_start3A_76 = tpu.memref_slice %arg11[%mul3A_49, %dma_start3A_75] : memref<80x128xi32, #tpu.memory_space<vmem>> -> memref<1x128xi32, #tpu.memory_space<vmem>>
          %dma_start3A_77 = tpu.memref_squeeze %dma_start3A_76 : memref<1x128xi32, #tpu.memory_space<vmem>> -> memref<128xi32, #tpu.memory_space<vmem>>
          %dma_start3A_78 = arith.constant 0 : i32
          %dma_start3A_79 = arith.constant 0 : i32
          %dma_start3A_80 = tpu.memref_slice %arg15[%dma_start3A_78, %dma_start3A_79] : memref<10240x128xbf16, #tpu.memory_space<vmem_shared>> -> memref<10240x128xbf16, #tpu.memory_space<vmem_shared>>
          tpu.enqueue_indirect_dma source(%arg12 : memref<128x128xbf16, #tpu.memory_space<vmem>>) target(%dma_start3A_80 : memref<10240x128xbf16, #tpu.memory_space<vmem_shared>>) offsets(%dma_start3A_77 : memref<128xi32, #tpu.memory_space<vmem>>) semaphore(%run_scoped3A : memref<!tpu.dma_semaphore, #tpu.memory_space<semaphore_mem>>) {add = true}
          %dma_wait3A_81 = arith.constant 0 : i32
          %dma_wait3A_82 = tpu.memref_slice %arg11[%mul3A_49, %dma_wait3A_81] : memref<80x128xi32, #tpu.memory_space<vmem>> -> memref<1x128xi32, #tpu.memory_space<vmem>>
          %dma_wait3A_83 = tpu.memref_squeeze %dma_wait3A_82 : memref<1x128xi32, #tpu.memory_space<vmem>> -> memref<128xi32, #tpu.memory_space<vmem>>
          %dma_wait3A_84 = arith.constant 0 : i32
          %dma_wait3A_85 = arith.constant 0 : i32
          %dma_wait3A_86 = tpu.memref_slice %arg15[%dma_wait3A_84, %dma_wait3A_85] : memref<10240x128xbf16, #tpu.memory_space<vmem_shared>> -> memref<10240x128xbf16, #tpu.memory_space<vmem_shared>>
          tpu.wait_indirect_dma semaphore(%run_scoped3A : memref<!tpu.dma_semaphore, #tpu.memory_space<semaphore_mem>>) src(%arg12 : memref<128x128xbf16, #tpu.memory_space<vmem>>) dst(%dma_wait3A_86 : memref<10240x128xbf16, #tpu.memory_space<vmem_shared>>)
          tpu.yield
        }) : () -> ()
        %dma_wait3A_63 = arith.constant 0 : i32
        %dma_wait3A_64 = tpu.memref_slice %arg10[%add3A_51, %dma_wait3A_63] : memref<80x128xi32, #tpu.memory_space<vmem>> -> memref<1x128xi32, #tpu.memory_space<vmem>>
        %dma_wait3A_65 = tpu.memref_squeeze %dma_wait3A_64 : memref<1x128xi32, #tpu.memory_space<vmem>> -> memref<128xi32, #tpu.memory_space<vmem>>
        %dma_wait3A_66 = arith.constant 0 : i32
        %dma_wait3A_67 = arith.constant 0 : i32
        %dma_wait3A_68 = tpu.memref_slice %arg8[%dma_wait3A_66, %dma_wait3A_67] : memref<10240x128xbf16, #tpu.memory_space<hbm>> -> memref<10240x128xbf16, #tpu.memory_space<hbm>>
        tpu.wait_indirect_dma semaphore(%arg17 : memref<!tpu.dma_semaphore, #tpu.memory_space<semaphore_mem>>) src(%dma_wait3A_68 : memref<10240x128xbf16, #tpu.memory_space<hbm>>) dst(%arg13 : memref<128x128xbf16, #tpu.memory_space<vmem>>)
        %add3A_69 = arith.constant 1 : i32
        %add3A_70 = arith.addi %add3A_51, %add3A_69 : i32
        %lt3A = arith.constant 80 : i32
        %lt3A_71 = arith.cmpi slt, %add3A_70, %lt3A : i32
        %convert_element_type3A_72 = arith.extui %lt3A_71 : i1 to i32
        %cond3A_73 = arith.constant 0 : i32
        %cond3A_74 = arith.cmpi ne, %convert_element_type3A_72, %cond3A_73 : i32
        scf.if %cond3A_74 {
          %add3A_75 = arith.constant 1 : i32
          %add3A_76 = arith.addi %add3A_51, %add3A_75 : i32
          %dma_start3A_77 = arith.constant 0 : i32
          %dma_start3A_78 = tpu.memref_slice %arg10[%add3A_76, %dma_start3A_77] : memref<80x128xi32, #tpu.memory_space<vmem>> -> memref<1x128xi32, #tpu.memory_space<vmem>>
          %dma_start3A_79 = tpu.memref_squeeze %dma_start3A_78 : memref<1x128xi32, #tpu.memory_space<vmem>> -> memref<128xi32, #tpu.memory_space<vmem>>
          %dma_start3A_80 = arith.constant 0 : i32
          %dma_start3A_81 = arith.constant 0 : i32
          %dma_start3A_82 = tpu.memref_slice %arg8[%dma_start3A_80, %dma_start3A_81] : memref<10240x128xbf16, #tpu.memory_space<hbm>> -> memref<10240x128xbf16, #tpu.memory_space<hbm>>
          tpu.enqueue_indirect_dma source(%dma_start3A_82 : memref<10240x128xbf16, #tpu.memory_space<hbm>>) target(%arg12 : memref<128x128xbf16, #tpu.memory_space<vmem>>) offsets(%dma_start3A_79 : memref<128xi32, #tpu.memory_space<vmem>>) semaphore(%arg16 : memref<!tpu.dma_semaphore, #tpu.memory_space<semaphore_mem>>)
        } else {
        }
        "tpu.region"() ({
          %run_scoped3A = tpu.sem_alloc : memref<!tpu.dma_semaphore, #tpu.memory_space<semaphore_mem>>
          %dma_start3A_75 = arith.constant 0 : i32
          %dma_start3A_76 = tpu.memref_slice %arg11[%add3A_51, %dma_start3A_75] : memref<80x128xi32, #tpu.memory_space<vmem>> -> memref<1x128xi32, #tpu.memory_space<vmem>>
          %dma_start3A_77 = tpu.memref_squeeze %dma_start3A_76 : memref<1x128xi32, #tpu.memory_space<vmem>> -> memref<128xi32, #tpu.memory_space<vmem>>
          %dma_start3A_78 = arith.constant 0 : i32
          %dma_start3A_79 = arith.constant 0 : i32
          %dma_start3A_80 = tpu.memref_slice %arg15[%dma_start3A_78, %dma_start3A_79] : memref<10240x128xbf16, #tpu.memory_space<vmem_shared>> -> memref<10240x128xbf16, #tpu.memory_space<vmem_shared>>
          tpu.enqueue_indirect_dma source(%arg13 : memref<128x128xbf16, #tpu.memory_space<vmem>>) target(%dma_start3A_80 : memref<10240x128xbf16, #tpu.memory_space<vmem_shared>>) offsets(%dma_start3A_77 : memref<128xi32, #tpu.memory_space<vmem>>) semaphore(%run_scoped3A : memref<!tpu.dma_semaphore, #tpu.memory_space<semaphore_mem>>) {add = true}
          %dma_wait3A_81 = arith.constant 0 : i32
          %dma_wait3A_82 = tpu.memref_slice %arg11[%add3A_51, %dma_wait3A_81] : memref<80x128xi32, #tpu.memory_space<vmem>> -> memref<1x128xi32, #tpu.memory_space<vmem>>
          %dma_wait3A_83 = tpu.memref_squeeze %dma_wait3A_82 : memref<1x128xi32, #tpu.memory_space<vmem>> -> memref<128xi32, #tpu.memory_space<vmem>>
          %dma_wait3A_84 = arith.constant 0 : i32
          %dma_wait3A_85 = arith.constant 0 : i32
          %dma_wait3A_86 = tpu.memref_slice %arg15[%dma_wait3A_84, %dma_wait3A_85] : memref<10240x128xbf16, #tpu.memory_space<vmem_shared>> -> memref<10240x128xbf16, #tpu.memory_space<vmem_shared>>
          tpu.wait_indirect_dma semaphore(%run_scoped3A : memref<!tpu.dma_semaphore, #tpu.memory_space<semaphore_mem>>) src(%arg13 : memref<128x128xbf16, #tpu.memory_space<vmem>>) dst(%dma_wait3A_86 : memref<10240x128xbf16, #tpu.memory_space<vmem_shared>>)
          tpu.yield
        }) : () -> ()
      }
      %scan3A_46 = arith.constant 40 : i32
    } else {
    }
    %barrier3A_28 = arith.constant 0 : index
    tpu.barrier barrier_id(%barrier3A_28)
    %mul3A_29 = arith.constant 2 : i32
    %mul3A_30 = arith.muli %arg0, %mul3A_29 : i32
    %add3A_31 = arith.constant 1 : i32
    %add3A_32 = arith.addi %mul3A_30, %add3A_31 : i32
    %mul3A_33 = arith.constant 10240 : i32
    %mul3A_34 = arith.muli %add3A_32, %mul3A_33 : i32
    %add3A_35 = arith.addi %mul3A_34, %mul3A_2 : i32
    "tpu.region"() ({
      %run_scoped3A = tpu.sem_alloc : memref<!tpu.dma_semaphore, #tpu.memory_space<semaphore_mem>>
      %dma_start3A = arith.constant 0 : i32
      %dma_start3A_36 = tpu.memref_slice %arg9[%add3A_35, %dma_start3A] : memref<40960x128xbf16, #tpu.memory_space<hbm>> -> memref<640x128xbf16, #tpu.memory_space<hbm>>
      %dma_start3A_37 = arith.constant 0 : i32
      %dma_start3A_38 = tpu.memref_slice %arg15[%mul3A_2, %dma_start3A_37] : memref<10240x128xbf16, #tpu.memory_space<vmem_shared>> -> memref<640x128xbf16, #tpu.memory_space<vmem_shared>>
      tpu.enqueue_dma source(%dma_start3A_38 : memref<640x128xbf16, #tpu.memory_space<vmem_shared>>) target(%dma_start3A_36 : memref<640x128xbf16, #tpu.memory_space<hbm>>) target_semaphore(%run_scoped3A : memref<!tpu.dma_semaphore, #tpu.memory_space<semaphore_mem>>)
      %dma_wait3A = arith.constant 0 : i32
      %dma_wait3A_39 = tpu.memref_slice %arg9[%add3A_35, %dma_wait3A] : memref<40960x128xbf16, #tpu.memory_space<hbm>> -> memref<640x128xbf16, #tpu.memory_space<hbm>>
      %dma_wait3A_40 = arith.constant 0 : i32
      %dma_wait3A_41 = tpu.memref_slice %arg15[%mul3A_2, %dma_wait3A_40] : memref<10240x128xbf16, #tpu.memory_space<vmem_shared>> -> memref<640x128xbf16, #tpu.memory_space<vmem_shared>>
      tpu.wait_dma2 semaphore(%run_scoped3A : memref<!tpu.dma_semaphore, #tpu.memory_space<semaphore_mem>>) src(%dma_wait3A_41 : memref<640x128xbf16, #tpu.memory_space<vmem_shared>>) dst(%dma_wait3A_39 : memref<640x128xbf16, #tpu.memory_space<hbm>>)
      tpu.yield
    }) : () -> ()
    return
  }
}

module attributes {stable_mosaic.version = 14 : i64} {
  func.func @_mm_body(%arg0: i32, %arg1: memref<400x16xf32, #tpu.memory_space<vmem>>, %arg2: memref<400x256xf32, #tpu.memory_space<vmem>>, %arg3: memref<400x256xf32, #tpu.memory_space<vmem>>, %arg4: memref<256x256xf32, #tpu.memory_space<vmem>>, %arg5: memref<256x256xf32, #tpu.memory_space<vmem>>, %arg6: memref<400x128xbf16, #tpu.memory_space<vmem>>, %arg7: memref<400x128xbf16, #tpu.memory_space<vmem>>, %arg8: memref<400x128xbf16, #tpu.memory_space<vmem>>, %arg9: memref<400x128xbf16, #tpu.memory_space<vmem>>) attributes {dimension_semantics = [#tpu.dimension_semantics<arbitrary>], iteration_bounds = array<i64: 25>, scalar_prefetch = 0 : i64, scratch_operands = 0 : i64, tpu.core_type = #tpu.core_type<tc>, window_params = [{transform_indices = @transform_0, window_bounds = array<i64: 400, 16>}, {transform_indices = @transform_1, window_bounds = array<i64: 400, 256>}, {transform_indices = @transform_2, window_bounds = array<i64: 400, 256>}, {pipeline_mode = #tpu.pipeline_mode<synchronous>, transform_indices = @transform_3, window_bounds = array<i64: 256, 256>}, {pipeline_mode = #tpu.pipeline_mode<synchronous>, transform_indices = @transform_4, window_bounds = array<i64: 256, 256>}, {transform_indices = @transform_5, window_bounds = array<i64: 400, 128>}, {transform_indices = @transform_6, window_bounds = array<i64: 400, 128>}, {transform_indices = @transform_7, window_bounds = array<i64: 400, 128>}, {transform_indices = @transform_8, window_bounds = array<i64: 400, 128>}]} {
    %get3A = arith.constant 0 : index
    %get3A_0 = arith.constant 0 : index
    %get3A_1 = vector.load %arg1[%get3A, %get3A_0] : memref<400x16xf32, #tpu.memory_space<vmem>>, vector<400x1xf32>
    %get3A_2 = vector.shape_cast %get3A_1 : vector<400x1xf32> to vector<400xf32>
    %gt3A = arith.constant 0.000000e+00 : f32
    %gt3A_3 = vector.broadcast %gt3A : f32 to vector<400xf32>
    %gt3A_4 = arith.cmpf ogt, %get3A_2, %gt3A_3 : vector<400xf32>
    %rsqrt3A = math.rsqrt %get3A_2 : vector<400xf32>
    %jit3A = arith.constant 0.000000e+00 : f32
    %broadcast_in_dim3A = vector.broadcast %jit3A : f32 to vector<400xf32>
    %select_n3A = arith.select %gt3A_4, %rsqrt3A, %broadcast_in_dim3A : vector<400xi1>, vector<400xf32>
    %broadcast_in_dim3A_5 = vector.shape_cast %select_n3A : vector<400xf32> to vector<400x1xf32>
    %get3A_6 = arith.constant 0 : index
    %get3A_7 = arith.constant 0 : index
    %get3A_8 = vector.load %arg2[%get3A_6, %get3A_7] : memref<400x256xf32, #tpu.memory_space<vmem>>, vector<400x256xf32>
    %convert_element_type3A = arith.truncf %get3A_8 : vector<400x256xf32> to vector<400x256xbf16>
    %get3A_9 = arith.constant 0 : index
    %get3A_10 = arith.constant 0 : index
    %get3A_11 = vector.load %arg4[%get3A_9, %get3A_10] : memref<256x256xf32, #tpu.memory_space<vmem>>, vector<256x256xf32>
    %convert_element_type3A_12 = arith.truncf %get3A_11 : vector<256x256xf32> to vector<256x256xbf16>
    %dot_general3A = arith.constant dense<0.000000e+00> : vector<400x256xf32>
    %dot_general3A_13 = tpu.matmul %convert_element_type3A, %convert_element_type3A_12, %dot_general3A {dimension_numbers = #tpu.dot_dimension_numbers<[1], [0], [0], [1], [0, 0, 1, 1], [], []>, transpose_lhs_hint = false} : vector<400x256xbf16>, vector<256x256xbf16>, vector<400x256xf32> -> vector<400x256xf32>
    %mul3A = vector.broadcast %broadcast_in_dim3A_5 : vector<400x1xf32> to vector<400x256xf32>
    %mul3A_14 = arith.mulf %dot_general3A_13, %mul3A : vector<400x256xf32>
    %get3A_15 = arith.constant 0 : index
    %get3A_16 = arith.constant 0 : index
    %get3A_17 = vector.load %arg3[%get3A_15, %get3A_16] : memref<400x256xf32, #tpu.memory_space<vmem>>, vector<400x256xf32>
    %convert_element_type3A_18 = arith.truncf %get3A_17 : vector<400x256xf32> to vector<400x256xbf16>
    %get3A_19 = arith.constant 0 : index
    %get3A_20 = arith.constant 0 : index
    %get3A_21 = vector.load %arg5[%get3A_19, %get3A_20] : memref<256x256xf32, #tpu.memory_space<vmem>>, vector<256x256xf32>
    %convert_element_type3A_22 = arith.truncf %get3A_21 : vector<256x256xf32> to vector<256x256xbf16>
    %dot_general3A_23 = arith.constant dense<0.000000e+00> : vector<400x256xf32>
    %dot_general3A_24 = tpu.matmul %convert_element_type3A_18, %convert_element_type3A_22, %dot_general3A_23 {dimension_numbers = #tpu.dot_dimension_numbers<[1], [0], [0], [1], [0, 0, 1, 1], [], []>, transpose_lhs_hint = false} : vector<400x256xbf16>, vector<256x256xbf16>, vector<400x256xf32> -> vector<400x256xf32>
    %mul3A_25 = vector.broadcast %broadcast_in_dim3A_5 : vector<400x1xf32> to vector<400x256xf32>
    %mul3A_26 = arith.mulf %dot_general3A_24, %mul3A_25 : vector<400x256xf32>
    %slice3A = vector.extract_strided_slice %mul3A_14 {offsets = [0, 0], sizes = [400, 128], strides = [1, 1]} : vector<400x256xf32> to vector<400x128xf32>
    %convert_element_type3A_27 = arith.truncf %slice3A : vector<400x128xf32> to vector<400x128xbf16>
    %swap3A = arith.constant 0 : index
    %swap3A_28 = arith.constant 0 : index
    %swap3A_29 = vector.load %arg6[%swap3A, %swap3A_28] : memref<400x128xbf16, #tpu.memory_space<vmem>>, vector<400x128xbf16>
    tpu.vector_store %arg6[%swap3A, %swap3A_28], %convert_element_type3A_27 {strides = array<i32>} : memref<400x128xbf16, #tpu.memory_space<vmem>>, vector<400x128xbf16>,
    %slice3A_30 = vector.extract_strided_slice %mul3A_26 {offsets = [0, 0], sizes = [400, 128], strides = [1, 1]} : vector<400x256xf32> to vector<400x128xf32>
    %convert_element_type3A_31 = arith.truncf %slice3A_30 : vector<400x128xf32> to vector<400x128xbf16>
    %swap3A_32 = arith.constant 0 : index
    %swap3A_33 = arith.constant 0 : index
    %swap3A_34 = vector.load %arg8[%swap3A_32, %swap3A_33] : memref<400x128xbf16, #tpu.memory_space<vmem>>, vector<400x128xbf16>
    tpu.vector_store %arg8[%swap3A_32, %swap3A_33], %convert_element_type3A_31 {strides = array<i32>} : memref<400x128xbf16, #tpu.memory_space<vmem>>, vector<400x128xbf16>,
    %slice3A_35 = vector.extract_strided_slice %mul3A_14 {offsets = [0, 128], sizes = [400, 128], strides = [1, 1]} : vector<400x256xf32> to vector<400x128xf32>
    %convert_element_type3A_36 = arith.truncf %slice3A_35 : vector<400x128xf32> to vector<400x128xbf16>
    %swap3A_37 = arith.constant 0 : index
    %swap3A_38 = arith.constant 0 : index
    %swap3A_39 = vector.load %arg7[%swap3A_37, %swap3A_38] : memref<400x128xbf16, #tpu.memory_space<vmem>>, vector<400x128xbf16>
    tpu.vector_store %arg7[%swap3A_37, %swap3A_38], %convert_element_type3A_36 {strides = array<i32>} : memref<400x128xbf16, #tpu.memory_space<vmem>>, vector<400x128xbf16>,
    %slice3A_40 = vector.extract_strided_slice %mul3A_26 {offsets = [0, 128], sizes = [400, 128], strides = [1, 1]} : vector<400x256xf32> to vector<400x128xf32>
    %convert_element_type3A_41 = arith.truncf %slice3A_40 : vector<400x128xf32> to vector<400x128xbf16>
    %swap3A_42 = arith.constant 0 : index
    %swap3A_43 = arith.constant 0 : index
    %swap3A_44 = vector.load %arg9[%swap3A_42, %swap3A_43] : memref<400x128xbf16, #tpu.memory_space<vmem>>, vector<400x128xbf16>
    tpu.vector_store %arg9[%swap3A_42, %swap3A_43], %convert_element_type3A_41 {strides = array<i32>} : memref<400x128xbf16, #tpu.memory_space<vmem>>, vector<400x128xbf16>,
    return
  }
  func.func @transform_0(%arg0: i32) -> (i32, i32) {
    %c0_i32 = arith.constant 0 : i32
    %c0_i32_0 = arith.constant 0 : i32
    return %arg0, %c0_i32 : i32, i32
  }
  func.func @transform_1(%arg0: i32) -> (i32, i32) {
    %c0_i32 = arith.constant 0 : i32
    %c0_i32_0 = arith.constant 0 : i32
    return %arg0, %c0_i32 : i32, i32
  }
  func.func @transform_2(%arg0: i32) -> (i32, i32) {
    %c0_i32 = arith.constant 0 : i32
    %c0_i32_0 = arith.constant 0 : i32
    return %arg0, %c0_i32 : i32, i32
  }
  func.func @transform_3(%arg0: i32) -> (i32, i32) {
    %c0_i32 = arith.constant 0 : i32
    %c0_i32_0 = arith.constant 0 : i32
    %c0_i32_1 = arith.constant 0 : i32
    return %c0_i32, %c0_i32_0 : i32, i32
  }
  func.func @transform_4(%arg0: i32) -> (i32, i32) {
    %c0_i32 = arith.constant 0 : i32
    %c0_i32_0 = arith.constant 0 : i32
    %c0_i32_1 = arith.constant 0 : i32
    return %c0_i32, %c0_i32_0 : i32, i32
  }
  func.func @transform_5(%arg0: i32) -> (i32, i32) {
    %c0_i32 = arith.constant 0 : i32
    %c0_i32_0 = arith.constant 0 : i32
    return %arg0, %c0_i32 : i32, i32
  }
  func.func @transform_6(%arg0: i32) -> (i32, i32) {
    %c0_i32 = arith.constant 0 : i32
    %c0_i32_0 = arith.constant 0 : i32
    return %arg0, %c0_i32 : i32, i32
  }
  func.func @transform_7(%arg0: i32) -> (i32, i32) {
    %c0_i32 = arith.constant 0 : i32
    %c0_i32_0 = arith.constant 0 : i32
    return %arg0, %c0_i32 : i32, i32
  }
  func.func @transform_8(%arg0: i32) -> (i32, i32) {
    %c0_i32 = arith.constant 0 : i32
    %c0_i32_0 = arith.constant 0 : i32
    return %arg0, %c0_i32 : i32, i32
  }
}

module attributes {stable_mosaic.version = 14 : i64} {
  func.func @_mlp_body(%arg0: i32, %arg1: memref<4x512x128xbf16, #tpu.memory_space<vmem>>, %arg2: memref<512x16xf32, #tpu.memory_space<vmem>>, %arg3: memref<512x256xf32, #tpu.memory_space<vmem>>, %arg4: memref<256x256xf32, #tpu.memory_space<vmem>>, %arg5: memref<1x256xf32, #tpu.memory_space<vmem>>, %arg6: memref<1x256xf32, #tpu.memory_space<vmem>>, %arg7: memref<1x256xf32, #tpu.memory_space<vmem>>, %arg8: memref<1x256xf32, #tpu.memory_space<vmem>>, %arg9: memref<1x1xf32, #tpu.memory_space<vmem>>) attributes {dimension_semantics = [#tpu.dimension_semantics<arbitrary>], iteration_bounds = array<i64: 20>, scalar_prefetch = 0 : i64, scratch_operands = 0 : i64, tpu.core_type = #tpu.core_type<tc>, window_params = [{transform_indices = @transform_0, window_bounds = array<i64: 4, 512, 128>}, {transform_indices = @transform_1, window_bounds = array<i64: 512, 16>}, {pipeline_mode = #tpu.pipeline_mode<synchronous>, transform_indices = @transform_2, window_bounds = array<i64: 512, 256>}, {pipeline_mode = #tpu.pipeline_mode<synchronous>, transform_indices = @transform_3, window_bounds = array<i64: 256, 256>}, {pipeline_mode = #tpu.pipeline_mode<synchronous>, transform_indices = @transform_4, window_bounds = array<i64: 1, 256>}, {pipeline_mode = #tpu.pipeline_mode<synchronous>, transform_indices = @transform_5, window_bounds = array<i64: 1, 256>}, {pipeline_mode = #tpu.pipeline_mode<synchronous>, transform_indices = @transform_6, window_bounds = array<i64: 1, 256>}, {pipeline_mode = #tpu.pipeline_mode<synchronous>, transform_indices = @transform_7, window_bounds = array<i64: 1, 256>}, {pipeline_mode = #tpu.pipeline_mode<synchronous>, transform_indices = @transform_8, window_bounds = array<i64: 1, 1>}]} {
    %get3A = arith.constant 0 : index
    %get3A_0 = arith.constant 0 : index
    %get3A_1 = vector.load %arg2[%get3A, %get3A_0] : memref<512x16xf32, #tpu.memory_space<vmem>>, vector<512x1xf32>
    %get3A_2 = vector.shape_cast %get3A_1 : vector<512x1xf32> to vector<512xf32>
    %gt3A = arith.constant 0.000000e+00 : f32
    %gt3A_3 = vector.broadcast %gt3A : f32 to vector<512xf32>
    %gt3A_4 = arith.cmpf ogt, %get3A_2, %gt3A_3 : vector<512xf32>
    %rsqrt3A = math.rsqrt %get3A_2 : vector<512xf32>
    %jit3A = arith.constant 0.000000e+00 : f32
    %broadcast_in_dim3A = vector.broadcast %jit3A : f32 to vector<512xf32>
    %select_n3A = arith.select %gt3A_4, %rsqrt3A, %broadcast_in_dim3A : vector<512xi1>, vector<512xf32>
    %broadcast_in_dim3A_5 = vector.shape_cast %select_n3A : vector<512xf32> to vector<512x1xf32>
    %get3A_6 = arith.constant 0 : index
    %get3A_7 = arith.constant 0 : index
    %get3A_8 = arith.constant 0 : index
    %get3A_9 = vector.load %arg1[%get3A_6, %get3A_7, %get3A_8] : memref<4x512x128xbf16, #tpu.memory_space<vmem>>, vector<1x512x128xbf16>
    %get3A_10 = vector.shape_cast %get3A_9 : vector<1x512x128xbf16> to vector<512x128xbf16>
    %convert_element_type3A = arith.extf %get3A_10 : vector<512x128xbf16> to vector<512x128xf32>
    %get3A_11 = arith.constant 1 : index
    %get3A_12 = arith.constant 0 : index
    %get3A_13 = arith.constant 0 : index
    %get3A_14 = vector.load %arg1[%get3A_11, %get3A_12, %get3A_13] : memref<4x512x128xbf16, #tpu.memory_space<vmem>>, vector<1x512x128xbf16>
    %get3A_15 = vector.shape_cast %get3A_14 : vector<1x512x128xbf16> to vector<512x128xbf16>
    %convert_element_type3A_16 = arith.extf %get3A_15 : vector<512x128xbf16> to vector<512x128xf32>
    %concatenate3A = tpu.concatenate %convert_element_type3A, %convert_element_type3A_16 in 1 : vector<512x128xf32>, vector<512x128xf32> -> vector<512x256xf32>
    %get3A_17 = arith.constant 2 : index
    %get3A_18 = arith.constant 0 : index
    %get3A_19 = arith.constant 0 : index
    %get3A_20 = vector.load %arg1[%get3A_17, %get3A_18, %get3A_19] : memref<4x512x128xbf16, #tpu.memory_space<vmem>>, vector<1x512x128xbf16>
    %get3A_21 = vector.shape_cast %get3A_20 : vector<1x512x128xbf16> to vector<512x128xbf16>
    %convert_element_type3A_22 = arith.extf %get3A_21 : vector<512x128xbf16> to vector<512x128xf32>
    %get3A_23 = arith.constant 3 : index
    %get3A_24 = arith.constant 0 : index
    %get3A_25 = arith.constant 0 : index
    %get3A_26 = vector.load %arg1[%get3A_23, %get3A_24, %get3A_25] : memref<4x512x128xbf16, #tpu.memory_space<vmem>>, vector<1x512x128xbf16>
    %get3A_27 = vector.shape_cast %get3A_26 : vector<1x512x128xbf16> to vector<512x128xbf16>
    %convert_element_type3A_28 = arith.extf %get3A_27 : vector<512x128xbf16> to vector<512x128xf32>
    %concatenate3A_29 = tpu.concatenate %convert_element_type3A_22, %convert_element_type3A_28 in 1 : vector<512x128xf32>, vector<512x128xf32> -> vector<512x256xf32>
    %mul3A = vector.broadcast %broadcast_in_dim3A_5 : vector<512x1xf32> to vector<512x256xf32>
    %mul3A_30 = arith.mulf %concatenate3A, %mul3A : vector<512x256xf32>
    %get3A_31 = arith.constant 0 : index
    %get3A_32 = arith.constant 0 : index
    %get3A_33 = vector.load %arg5[%get3A_31, %get3A_32] : memref<1x256xf32, #tpu.memory_space<vmem>>, vector<1x256xf32>
    %add3A = vector.broadcast %get3A_33 : vector<1x256xf32> to vector<512x256xf32>
    %add3A_34 = arith.addf %mul3A_30, %add3A : vector<512x256xf32>
    %mul3A_35 = vector.broadcast %broadcast_in_dim3A_5 : vector<512x1xf32> to vector<512x256xf32>
    %mul3A_36 = arith.mulf %concatenate3A_29, %mul3A_35 : vector<512x256xf32>
    %get3A_37 = arith.constant 0 : index
    %get3A_38 = arith.constant 0 : index
    %get3A_39 = vector.load %arg6[%get3A_37, %get3A_38] : memref<1x256xf32, #tpu.memory_space<vmem>>, vector<1x256xf32>
    %add3A_40 = vector.broadcast %get3A_39 : vector<1x256xf32> to vector<512x256xf32>
    %add3A_41 = arith.addf %mul3A_36, %add3A_40 : vector<512x256xf32>
    %concatenate3A_42 = tpu.concatenate %add3A_34, %add3A_41 in 1 : vector<512x256xf32>, vector<512x256xf32> -> vector<512x512xf32>
    %convert_element_type3A_43 = arith.truncf %concatenate3A_42 : vector<512x512xf32> to vector<512x512xbf16>
    %get3A_44 = arith.constant 0 : index
    %get3A_45 = arith.constant 0 : index
    %get3A_46 = vector.load %arg3[%get3A_44, %get3A_45] : memref<512x256xf32, #tpu.memory_space<vmem>>, vector<512x256xf32>
    %convert_element_type3A_47 = arith.truncf %get3A_46 : vector<512x256xf32> to vector<512x256xbf16>
    %dot_general3A = arith.constant dense<0.000000e+00> : vector<512x256xf32>
    %dot_general3A_48 = tpu.matmul %convert_element_type3A_43, %convert_element_type3A_47, %dot_general3A {dimension_numbers = #tpu.dot_dimension_numbers<[1], [0], [0], [1], [0, 0, 1, 1], [], []>, transpose_lhs_hint = false} : vector<512x512xbf16>, vector<512x256xbf16>, vector<512x256xf32> -> vector<512x256xf32>
    %get3A_49 = arith.constant 0 : index
    %get3A_50 = arith.constant 0 : index
    %get3A_51 = vector.load %arg7[%get3A_49, %get3A_50] : memref<1x256xf32, #tpu.memory_space<vmem>>, vector<1x256xf32>
    %add3A_52 = vector.broadcast %get3A_51 : vector<1x256xf32> to vector<512x256xf32>
    %add3A_53 = arith.addf %dot_general3A_48, %add3A_52 : vector<512x256xf32>
    %tanh3A = math.tanh %add3A_53 : vector<512x256xf32>
    %convert_element_type3A_54 = arith.truncf %tanh3A : vector<512x256xf32> to vector<512x256xbf16>
    %get3A_55 = arith.constant 0 : index
    %get3A_56 = arith.constant 0 : index
    %get3A_57 = vector.load %arg4[%get3A_55, %get3A_56] : memref<256x256xf32, #tpu.memory_space<vmem>>, vector<256x256xf32>
    %convert_element_type3A_58 = arith.truncf %get3A_57 : vector<256x256xf32> to vector<256x256xbf16>
    %dot_general3A_59 = arith.constant dense<0.000000e+00> : vector<512x256xf32>
    %dot_general3A_60 = tpu.matmul %convert_element_type3A_54, %convert_element_type3A_58, %dot_general3A_59 {dimension_numbers = #tpu.dot_dimension_numbers<[1], [0], [0], [1], [0, 0, 1, 1], [], []>, transpose_lhs_hint = false} : vector<512x256xbf16>, vector<256x256xbf16>, vector<512x256xf32> -> vector<512x256xf32>
    %get3A_61 = arith.constant 0 : index
    %get3A_62 = arith.constant 0 : index
    %get3A_63 = vector.load %arg8[%get3A_61, %get3A_62] : memref<1x256xf32, #tpu.memory_space<vmem>>, vector<1x256xf32>
    %add3A_64 = vector.broadcast %get3A_63 : vector<1x256xf32> to vector<512x256xf32>
    %add3A_65 = arith.addf %dot_general3A_60, %add3A_64 : vector<512x256xf32>
    %mul3A_66 = arith.constant 512 : i32
    %mul3A_67 = arith.muli %arg0, %mul3A_66 : i32
    %iota3A = tpu.iota {dimensions = array<i32: 0>} : vector<512x1xi32>
    %add3A_68 = vector.broadcast %mul3A_67 : i32 to vector<512x1xi32>
    %add3A_69 = arith.addi %add3A_68, %iota3A : vector<512x1xi32>
    %lt3A = arith.constant 10000 : i32
    %lt3A_70 = vector.broadcast %lt3A : i32 to vector<512x1xi32>
    %lt3A_71 = arith.cmpi slt, %add3A_69, %lt3A_70 : vector<512x1xi32>
    %mul3A_72 = arith.mulf %add3A_65, %add3A_65 : vector<512x256xf32>
    %jit3A_73 = arith.constant 0.000000e+00 : f32
    %broadcast_in_dim3A_74 = vector.shape_cast %lt3A_71 : vector<512x1xi1> to vector<512x1xi1>
    %broadcast_in_dim3A_75 = vector.broadcast %broadcast_in_dim3A_74 : vector<512x1xi1> to vector<512x256xi1>
    %broadcast_in_dim3A_76 = vector.broadcast %jit3A_73 : f32 to vector<512x256xf32>
    %select_n3A_77 = arith.select %broadcast_in_dim3A_75, %mul3A_72, %broadcast_in_dim3A_76 : vector<512x256xi1>, vector<512x256xf32>
    %reduce_sum3A = vector.shape_cast %select_n3A_77 : vector<512x256xf32> to vector<1x512x256xf32>
    %reduce_sum3A_78 = arith.constant dense<0.000000e+00> : vector<1xf32>
    %reduce_sum3A_79 = vector.multi_reduction <add>, %reduce_sum3A, %reduce_sum3A_78 [1, 2] : vector<1x512x256xf32> to vector<1xf32>
    %reduce_sum3A_80 = vector.shape_cast %reduce_sum3A_79 : vector<1xf32> to vector<1x1x1xf32>
    %reduce_sum3A_81 = vector.extract %reduce_sum3A_80[0, 0, 0] : f32 from vector<1x1x1xf32>
    %mul3A_82 = arith.constant 5.000000e-01 : f32
    %mul3A_83 = arith.mulf %mul3A_82, %reduce_sum3A_81 : f32
    %eq3A = arith.constant 0 : i32
    %eq3A_84 = arith.cmpi eq, %arg0, %eq3A : i32
    %convert_element_type3A_85 = arith.extui %eq3A_84 : i1 to i32
    %cond3A = arith.constant 0 : i32
    %cond3A_86 = arith.cmpi ne, %convert_element_type3A_85, %cond3A : i32
    scf.if %cond3A_86 {
      %broadcast_in_dim3A_93 = arith.constant 0.000000e+00 : f32
      %broadcast_in_dim3A_94 = vector.broadcast %broadcast_in_dim3A_93 : f32 to vector<1x1xf32>
      %swap3A_95 = arith.constant 0 : index
      %swap3A_96 = arith.constant 0 : index
      %swap3A_97 = vector.load %arg9[%swap3A_95, %swap3A_96] : memref<1x1xf32, #tpu.memory_space<vmem>>, vector<1x1xf32>
      tpu.vector_store %arg9[%swap3A_95, %swap3A_96], %broadcast_in_dim3A_94 {strides = array<i32>} : memref<1x1xf32, #tpu.memory_space<vmem>>, vector<1x1xf32>,
    } else {
    }
    %get3A_87 = arith.constant 0 : index
    %get3A_88 = arith.constant 0 : index
    %get3A_89 = vector.load %arg9[%get3A_87, %get3A_88] : memref<1x1xf32, #tpu.memory_space<vmem>>, vector<1x1xf32>
    %reshape3A = vector.broadcast %mul3A_83 : f32 to vector<1x1xf32>
    %add3A_90 = arith.addf %get3A_89, %reshape3A : vector<1x1xf32>
    %swap3A = arith.constant 0 : index
    %swap3A_91 = arith.constant 0 : index
    %swap3A_92 = vector.load %arg9[%swap3A, %swap3A_91] : memref<1x1xf32, #tpu.memory_space<vmem>>, vector<1x1xf32>
    tpu.vector_store %arg9[%swap3A, %swap3A_91], %add3A_90 {strides = array<i32>} : memref<1x1xf32, #tpu.memory_space<vmem>>, vector<1x1xf32>,
    return
  }
  func.func @transform_0(%arg0: i32) -> (i32, i32, i32) {
    %c0_i32 = arith.constant 0 : i32
    %c0_i32_0 = arith.constant 0 : i32
    %c0_i32_1 = arith.constant 0 : i32
    return %c0_i32, %arg0, %c0_i32_0 : i32, i32, i32
  }
  func.func @transform_1(%arg0: i32) -> (i32, i32) {
    %add3A = arith.constant 20 : i32
    %add3A_0 = arith.addi %add3A, %arg0 : i32
    %c0_i32 = arith.constant 0 : i32
    %c0_i32_1 = arith.constant 0 : i32
    return %add3A_0, %c0_i32 : i32, i32
  }
  func.func @transform_2(%arg0: i32) -> (i32, i32) {
    %c0_i32 = arith.constant 0 : i32
    %c0_i32_0 = arith.constant 0 : i32
    %c0_i32_1 = arith.constant 0 : i32
    return %c0_i32, %c0_i32_0 : i32, i32
  }
  func.func @transform_3(%arg0: i32) -> (i32, i32) {
    %c0_i32 = arith.constant 0 : i32
    %c0_i32_0 = arith.constant 0 : i32
    %c0_i32_1 = arith.constant 0 : i32
    return %c0_i32, %c0_i32_0 : i32, i32
  }
  func.func @transform_4(%arg0: i32) -> (i32, i32) {
    %c0_i32 = arith.constant 0 : i32
    %c0_i32_0 = arith.constant 0 : i32
    %c0_i32_1 = arith.constant 0 : i32
    return %c0_i32, %c0_i32_0 : i32, i32
  }
  func.func @transform_5(%arg0: i32) -> (i32, i32) {
    %c0_i32 = arith.constant 0 : i32
    %c0_i32_0 = arith.constant 0 : i32
    %c0_i32_1 = arith.constant 0 : i32
    return %c0_i32, %c0_i32_0 : i32, i32
  }
  func.func @transform_6(%arg0: i32) -> (i32, i32) {
    %c0_i32 = arith.constant 0 : i32
    %c0_i32_0 = arith.constant 0 : i32
    %c0_i32_1 = arith.constant 0 : i32
    return %c0_i32, %c0_i32_0 : i32, i32
  }
  func.func @transform_7(%arg0: i32) -> (i32, i32) {
    %c0_i32 = arith.constant 0 : i32
    %c0_i32_0 = arith.constant 0 : i32
    %c0_i32_1 = arith.constant 0 : i32
    return %c0_i32, %c0_i32_0 : i32, i32
  }
  func.func @transform_8(%arg0: i32) -> (i32, i32) {
    %c0_i32 = arith.constant 0 : i32
    %c0_i32_0 = arith.constant 0 : i32
    %c0_i32_1 = arith.constant 0 : i32
    return %c0_i32, %c0_i32_0 : i32, i32
  }
}

</mosaic_0001>

<sc_bundles>
// kernel: kernel.6.cloned.1.call-start
scs
__scs_entry_jumppad:
0x0: {  	(pc) =	sbr.rel $0x88, $3  }
0x1: {  	(tag) =	ssettag $0x0;
	lr =	simm.s32 $0x1  }
0x2: {  	[smem:$0x3F96] =	sst lr;
	_ =	strace $0xD0000000  }
0x3: {  	_ = 	snop  }
0x4: {  	_ = 	snop  }
0x5: {  	_ = 	snop  }
0x6: {  	_ = 	snop  }
0x7: {  	_ = 	snop  }
__scs_overlays_trampoline_lowered:
0x8: {  	[smem:$0x3FA5] =	sst s0  }
0x9: {  	[smem:$0x3FA6] =	sst s1  }
0xa: {  	[smem:$0x3FA7] =	sst s2  }
0xb: {  	[smem:$0x3FA8] =	sst s3  }
0xc: {  	[smem:$0x3FA9] =	sst s4  }
0xd: {  	[smem:$0x3FAA] =	sst s5  }
0xe: {  	[smem:$0x3FAB] =	sst s6  }
0xf: {  	[smem:$0x3FAC] =	sst s7  }
0x10: {  	[smem:$0x3FAD] =	sst s8  }
0x11: {  	[smem:$0x3FAE] =	sst s9;
	s0 =	simm.s32 @!p0 $0x0  }
0x12: {  	s1 =	sld [smem:$0x3F94];
	s0 =	simm.s32 @p0 $0x1  }
0x13: {  	[smem:$0x3FAF] =	sst s0;
	s0 =	simm.s32 @!p1 $0x0  }
0x14: {  	s2 =	sld [smem:$0x3F93];
	s0 =	simm.s32 @p1 $0x1  }
0x15: {  	[smem:$0x3FB0] =	sst s0;
	s0 =	simm.s32 @!p2 $0x0  }
0x16: {  	s3 =	sld [smem:$0x3FDB];
	s0 =	simm.s32 @p2 $0x1  }
0x17: {  	s4 =	simm.s32 $0x1BF5;
	[smem:$0x3FB2] =	sst s0  }
0x18: {  	s0 =	sld [smem:$0x3F95];
	_ =	swait.ge [sflag:s4], $0x0  }
0x19: {  	s7 =	sld [smem:$0x3F96]  }
0x1a: {  	s8 =	sadd.s32 $0xFFFFE003, lr  }
0x1b: {  	s9 =	sadd.s32 $0xFFFFFEF7, lr;
	s5 =	simm.s32 $0xFFFFFFFF;
	p2 =	slt.u32 s8, $0xFFFFF086  }
0x1c: {  	p1 =	slt.u32 s9, $0xF7A;
	s5 =	simm.s32 @!p2 $0x0  }
0x1d: {  	s5 =	simm.s32 @p1 $0x1;
	p0 =	seq.s32 s7, s2  }
0x1e: {  	s7 =	smul.u32 @!p0 $0xF7A, s2;
	p2 =	seq.s32 @!p0 s5, $0x0  }
0x1f: {  	s9 =	smul.u32 $0xF7A, s1;
	s8 =	simm.s32 @!p0 $0x1BF5;
	p2 =	por !p2, p0  }
0x20: {  	[sflag:s8] =	ssyncset.s32 @!p0 $0xFFFFF086;
	s6 =	sadd.s32 @!p0 s3, s7;
	s7 =	simm.s32 @!p0 $0x108  }
0x21: {  	s3 =	sadd.s32 s3, s9;
	s6 =	sadd.s32 @!p0 $0x88, s6;
	s7 =	simm.s32 @p2 $0x1082  }
0x22: {  	[simem:s7], [sflag:s8] =	dma.local @!p0 [hbm:s6], $0xF7A  }
0x23: {  	s9 =	sor.u32 $0xD0000000, s2;
	s6 =	simm.s32 $0x108;
	_ =	swait.ge @!p0 [sflag:s8], $0x0  }
0x24: {  	s3 =	sadd.s32 $0x88, s3;
	s6 =	simm.s32 @!p1 $0x1082;
	[sflag:s4] =	ssyncset.s32 $0xFFFFF086  }
0x25: {  	[simem:s6], [sflag:s4] =	dma.local [hbm:s3], $0xF7A  }
0x26: {  	[smem:$0x3F96] =	sst s1;
	(tag) =	ssettag s2;
	_ =	strace s9  }
0x27: {  	s1 =	sld [smem:$0x3FA6]  }
0x28: {  	s2 =	sld [smem:$0x3FA7]  }
0x29: {  	s4 =	sld [smem:$0x3FA9]  }
0x2a: {  	p0 =	seq.s32 s5, $0x0;
	s5 =	sld [smem:$0x3FAA]  }
0x2b: {  	s6 =	sld [smem:$0x3FAB]  }
0x2c: {  	s7 =	sld [smem:$0x3FAC]  }
0x2d: {  	s3 =	simm.s32 $0x108;
	s8 =	sld [smem:$0x3FAD]  }
0x2e: {  	s3 =	simm.s32 @!p0 $0x1082;
	s9 =	sld [smem:$0x3FAE]  }
0x2f: {  	lr =	sadd.s32 s0, s3;
	s0 =	sld [smem:$0x3FA5]  }
0x30: {  	s3 =	sld [smem:$0x3FA8]  }
0x31: {  	[smem:$0x3FB1] =	sst s10  }
0x32: {  	s10 =	sld [smem:$0x3FAF];
	_ =	sdelay $0x3  }
0x33: {  	p0 =	seq.s32 s10, $0x1;
	s10 =	sld [smem:$0x3FB1];
	_ =	sdelay $0x3  }
0x34: {  	[smem:$0x3FB1] =	sst s10  }
0x35: {  	s10 =	sld [smem:$0x3FB0];
	_ =	sdelay $0x3  }
0x36: {  	p1 =	seq.s32 s10, $0x1;
	s10 =	sld [smem:$0x3FB1];
	_ =	sdelay $0x3  }
0x37: {  	[smem:$0x3FB1] =	sst s10  }
0x38: {  	s10 =	sld [smem:$0x3FB2]  }
0x39: {  	_ = 	snop;
	(pc) =	sbr.ind lr, $3  }
0x3a: {  	_ = 	snop  }
0x3b: {  	_ = 	snop  }
0x3c: {  	p2 =	seq.s32 s10, $0x1;
	s10 =	sld [smem:$0x3FB1]  }
0x3d: {  	_ =	shalt  }
0x3e: {  	_ =	shalt  }
0x3f: {  	_ =	shalt  }
0x40: {  	_ =	shalt  }
0x41: {  	_ =	shalt  }
0x42: {  	_ =	shalt  }
0x43: {  	_ =	shalt  }
0x44: {  	_ =	shalt  }
0x45: {  	_ =	shalt  }
0x46: {  	_ =	shalt  }
0x47: {  	_ =	shalt  }
0x48: {  	_ =	shalt  }
0x49: {  	_ =	shalt  }
0x4a: {  	_ =	shalt  }
0x4b: {  	_ =	shalt  }
0x4c: {  	_ =	shalt  }
0x4d: {  	_ =	shalt  }
0x4e: {  	_ =	shalt  }
0x4f: {  	_ =	shalt  }
0x50: {  	_ =	shalt  }
0x51: {  	_ =	shalt  }
0x52: {  	_ =	shalt  }
0x53: {  	_ =	shalt  }
0x54: {  	_ =	shalt  }
0x55: {  	_ =	shalt  }
0x56: {  	_ =	shalt  }
0x57: {  	_ =	shalt  }
0x58: {  	_ =	shalt  }
0x59: {  	_ =	shalt  }
0x5a: {  	_ =	shalt  }
0x5b: {  	_ =	shalt  }
0x5c: {  	_ =	shalt  }
0x5d: {  	_ =	shalt  }
0x5e: {  	_ =	shalt  }
0x5f: {  	_ =	shalt  }
0x60: {  	_ =	shalt  }
0x61: {  	_ =	shalt  }
0x62: {  	_ =	shalt  }
0x63: {  	_ =	shalt  }
0x64: {  	_ =	shalt  }
0x65: {  	_ =	shalt  }
0x66: {  	_ =	shalt  }
0x67: {  	_ =	shalt  }
0x68: {  	_ =	shalt  }
0x69: {  	_ =	shalt  }
0x6a: {  	_ =	shalt  }
0x6b: {  	_ =	shalt  }
0x6c: {  	_ =	shalt  }
0x6d: {  	_ =	shalt  }
0x6e: {  	_ =	shalt  }
0x6f: {  	_ =	shalt  }
0x70: {  	_ =	shalt  }
0x71: {  	_ =	shalt  }
0x72: {  	_ =	shalt  }
0x73: {  	_ =	shalt  }
0x74: {  	_ =	shalt  }
0x75: {  	_ =	shalt  }
0x76: {  	_ =	shalt  }
0x77: {  	_ =	shalt  }
0x78: {  	_ =	shalt  }
0x79: {  	_ =	shalt  }
0x7a: {  	_ =	shalt  }
0x7b: {  	_ =	shalt  }
0x7c: {  	_ =	shalt  }
0x7d: {  	_ =	shalt  }
0x7e: {  	_ =	shalt  }
0x7f: {  	_ =	shalt  }
0x80: {  	_ =	shalt  }
0x81: {  	_ =	shalt  }
0x82: {  	_ =	shalt  }
0x83: {  	_ =	shalt  }
0x84: {  	_ =	shalt  }
0x85: {  	_ =	shalt  }
0x86: {  	_ =	shalt  }
0x87: {  	_ =	shalt  }
.Lfunc_end0:
.L_simem_size_0:
called_computation_lowered:
.L_overlay_start_0:
0x88: {  	s2 =	sld [smem:$0x3FD9]  }
0x89: {  	s3 =	sld [smem:$0x3FFE];
	_ =	sdelay $0x1  }
0x8a: {  	s1 =	srdreg.scid  }
0x8b: {  	s0 =	sand.u32 $0x1, s1  }
0x8c: {  	s16 =	sshll.u32 s0, $0xA;
	s2 =	sadd.s32 s3, s2  }
0x8d: {  	s2 =	sadd.s32 s2, s16  }
0x8e: {  	[smem:$0x3FBD] =	sst s2  }
0x8f: {  	_ = 	snop  }
0x90: {  	(tm) =	ssettm $0x1  }
0x91: {  	s17 =	sld [smem:$0x3FFB];
	_ =	sdelay $0x3  }
0x92: {  	_ =	strace s17  }
0x93: {  	s2 =	sld [smem:$0x3FFC];
	_ =	sdelay $0x3  }
0x94: {  	_ =	strace s2  }
0x95: {  	s2 =	sld [smem:$0x3FFD];
	_ =	sdelay $0x3  }
0x96: {  	_ =	strace s2  }
0x97: {  	_ =	strace $0x8FFFFFFF  }
0x98: {  	s18 =	sld [smem:$0x3FDB];
	_ =	sdelay $0x1  }
0x99: {  	s19 =	simm.s32 $_scs_section_size  }
0x9a: {  	s4 =	simm.s32 $_size__tile_overlayer_lowered;
	s5 =	simm.s32 $_tile_overlayer_lowered  }
0x9b: {  	s22 =	simm.s32 $0x1BFF;
	s21 =	sshll.u32 s5, $0x1;
	s2 =	sadd.s32 s19, s18  }
0x9c: {  	s6 =	simm.s32 $0x0;
	s20 =	sshll.u32 s4, $0x1;
	s4 =	sadd.s32 s21, s2  }
0x9d: {  	[timem:s6], [sflag:s22] =	dma.local [hbm:s4], s20  }
0x9e: {  	_ =	swait.ge [sflag:s22], s20  }
0x9f: {  	s3 =	ssub.s32 $0x0, s20;
	[sflag:s22] =	ssyncset.done $0x0  }
0xa0: {  	[sflag:s22] =	ssyncadd.s32 s3;
	_ =	sdelay $0x1  }
0xa1: {  	s23 =	simm.s32 $0x1B8B  }
0xa2: {  	_ =	swait.ge [sflag:s23], $0x1  }
0xa3: {  	[sflag:s23] =	ssyncset.done $0x0  }
0xa4: {  	s25 =	simm.s32 $0x1B8E;
	s24 =	sld [smem:$0x3FFE];
	[sflag:s23] =	ssyncadd.s32 $0xFFFFFFFF  }
0xa5: {  	s26 =	simm.s32 $execute0_lowered;
	[smem:$0x3FD2] =	sst s25  }
0xa6: {  	s4 =	sshll.u32 s26, $0x1;
	_ =	strace $0x80000046;
	[dreg:$0x1] =	wrdreg $0xFFFFFFFF  }
0xa7: {  	s28 =	simm.s32 $_size_execute0_lowered;
	s2 =	sadd.s32 s2, s4;
	[dreg:$0x0] =	wrdreg $0x0  }
0xa8: {  	s4 =	sshll.u32 s28, $0x1;
	[dreg:$0x2] =	wrdreg s2  }
0xa9: {  	[dreg:$0x3] =	wrdreg s4  }
0xaa: {  	[dreg:$0x4] =	wrdreg $0xC0  }
0xab: {  	_ =	task [dreg:s6], $0x5FFFF  }
0xac: {  	[dreg:$0x1] =	wrdreg $0xFFFFFFFF  }
0xad: {  	[dreg:$0x0] =	wrdreg $0x60  }
0xae: {  	[dreg:$0x2] =	wrdreg s24  }
0xaf: {  	[dreg:$0x3] =	wrdreg $0x58000  }
0xb0: {  	[dreg:$0x4] =	wrdreg $0x9  }
0xb1: {  	_ =	task.clear_ibuf [dreg:s6], $0x5FFFF;
	_ =	strace $0x90000046  }
0xb2: {  	s29 =	simm.s32 $0x9;
	_ =	strace $0x80000048  }
0xb3: {  	_ =	swait.ge [sflag:s29], $0x1  }
0xb4: {  	[sflag:s29] =	ssyncadd.s32 $0xFFFFFFFF  }
0xb5: {  	_ =	strace $0x90000048  }
0xb6: {  	_ =	sfence  }
0xb7: {  	s30 =	sld [smem:$0x0];
	_ =	sdelay $0x2  }
0xb8: {  	s31 =	sshll.u32 s1, $0xD;
	s1 =	sshrl.u32 s1, $0x2  }
0xb9: {  	s3 =	sand.u32 $0x4000, s31;
	s1 =	sadd.s32 s1, s30  }
0xba: {  	s0 =	sor.u32 s3, s0;
	s1 =	sshll.u32 s1, $0x11  }
0xbb: {  	s0 =	sor.u32 s1, s0  }
0xbc: {  	s0 =	sadd.s32 $0x8F2B, s0  }
0xbd: {  	[sflag:s0] =	ssyncadd.remote.s32 $0x1  }
0xbe: {  	_ =	sfence.sel $0xFFFF  }
0xbf: {  	[dreg:$0x0] =	wrdreg $0xFFFFFFFF;
	(pc) =	sbr.abs _section_cstart, $3  }
0xc0: {  	[dreg:$0x1] =	wrdreg $0xFFFFFFFF  }
0xc1: {  	_ =	task.clear_ibuf [dreg:s6], $0x2FFFF;
	_ =	strace $0x9FFFFFFF  }
0xc2: {  	(tm) =	ssettm $0x7FFFFFFF  }
0xc3: {  	_ =	shalt  }
tec
execute0_lowered:
.L_overlay_start_1:
0x0: {  	(tag) =	ssettag $0x1  }
0x1: {  	s7 =	rddreg [dreg:$0x0];
	s1 =	srdreg.scid  }
0x2: {  	s0 =	stileid.u32;
	s2 =	rddreg [dreg:$0x1]  }
0x3: {  	s3 =	simm.s32 $0x0;
	s12 =	simm.s32 $0x2C00;
	s13 =	simm.s32 $0x80  }
0x4: {  	s14 =	simm.s32 $0x1;
	s6 =	sand.u32 $0x1, s1;
	s1 =	rddreg [dreg:$0x2]  }
0x5: {  	s17 =	simm.s32 $0x0;
	s9 =	smul.u32 $0x500, s0;
	[smem:$0x7FF] =	sst s3  }
0x6: {  	s4 =	sadd.s32 $0xCC00, s7;
	s10 =	smul.u32 $0xA000, s0;
	s15 =	sshll.u32 s0, $0x6  }
0x7: {  	s5 =	smul.u32 $0x5000, s6;
	_ =	strace $0x80000047;
	s11 =	ssub.s32 $0x2, s6  }
0x8: {  	p0 =	seq.s32 s6, $0x1;
	s15 =	sor.u32 $0x1C02, s15;
	s30 =	sshrl.u32 s11, $0x1  }
0x9: {  	s10 =	sshrl.u32 s10, $0x2;
	s12 =	simm.s32 @!p0 $0x7C00;
	s8 =	sadd.s32 s9, s5  }
0xa: {  	s5 =	sadd.s32 $0xCE00, s7;
	s11 =	ssub.s32 s11, s30;
	s6 =	sadd.s32 s10, s2  }
0xb: {  	s31 =	sadd.s32 s12, s7;
	s10 =	simm.s32 $0x2;
	s12 =	simm.s32 $0x3000  }
0xc: {  	s8 =	sadd.s32 s8, s7;
	s9 =	sadd.s32 s31, s9;
	s16 =	sshrl.u32 s6, $0x3  }
0xd: {  	s7 =	sadd.s32 $0xD400, s8;
	s8 =	smax.u32 s11, $0x1;
	s11 =	simm.s32 $0x2800  }
.LBB2_1:
0xe: {  	[tilespmem:s3], [sflag:$0x2] =	stream.linear.gather [hbm4b:s9+s3], $0x2800, $0x38;
	[tilespmem:$0x8000] =	vst v63  }
0xf: {  	_ =	swait.ge [sflag:s10], $0x2800  }
0x10: {  	[sflag:s10] =	ssyncset.done $0x0  }
0x11: {  	[sflag:s10] =	ssyncadd.s32 $0xFFFFD800  }
0x12: {  	[tilespmem:s11], [sflag:$0x2] =	stream.linear.gather [hbm4b:s4+s3], $0x800, $0x38;
	[tilespmem:$0x8000] =	vst v63  }
0x13: {  	_ =	swait.ge [sflag:s10], $0x800  }
0x14: {  	[sflag:s10] =	ssyncset.done $0x0  }
0x15: {  	[sflag:s10] =	ssyncadd.s32 $0xFFFFF800  }
0x16: {  	[tilespmem:s12], [sflag:$0x2] =	stream.linear.gather [hbm4b:s5+s3], $0x2800, $0x38;
	[tilespmem:$0x8000] =	vst v63  }
0x17: {  	_ =	swait.ge [sflag:s10], $0x2800  }
0x18: {  	[sflag:s10] =	ssyncset.done $0x0  }
0x19: {  	[sflag:s10] =	ssyncadd.s32 $0xFFFFD800  }
0x1a: {  	[spmem:s6] =	stream.linear.scatter [tilespmem:s12], [sflag:$0x2], $0x2800, $0x38;
	[tilespmem:$0x8000] =	vst v63  }
0x1b: {  	_ =	swait.ge [sflag:s10], $0x2800  }
0x1c: {  	[sflag:s10] =	ssyncset.done $0x0  }
0x1d: {  	[sflag:s10] =	ssyncadd.s32 $0xFFFFD800  }
0x1e: {  	s18 =	simm.s32 $0x0;
	[bflag:$0x0] =	sbarrier.arrive $0xFFFF  }
.LBB2_2:
0x1f: {  	p0 =	sne.s32 s18, $0x9E00  }
.Ltmp0:
0x20: {  	_ = 	snop;
	(pc) =	sbr.rel @p0 .LBB2_2-.Ltmp0, $3  }
0x21: {  	_ =	sdelay $0x1  }
0x22: {  	s19 =	sshra.s32 s18, $0x2;
	s18 =	sadd.s32 $0x200, s18  }
0x23: {  	[spmem:s2] =	stream.indirect.scatter.add.f32 [tilespmem:s11], [sflag:$0x1], $0x10, s19, s13, $0xb8;
	[tilespmem:$0x8000] =	vst v63  }
0x24: {  	_ =	swait.ge [sflag:s14], $0x800  }
0x25: {  	s18 =	simm.s32 $0x4F;
	[sflag:s14] =	ssyncset.done $0x0  }
.LBB2_4:
0x26: {  	p0 =	sne.s32 s18, $0x1;
	s18 =	sadd.s32 $0xFFFFFFFF, s18;
	[sflag:s14] =	ssyncadd.s32 $0xFFFFF800  }
.Ltmp1:
0x27: {  	(pc) =	sbr.rel @p0 .LBB2_4-.Ltmp1, $3  }
0x28: {  	_ =	sdelay $0x1  }
0x29: {  	_ =	swait.ge [sflag:s14], $0x800  }
0x2a: {  	[sflag:s14] =	ssyncset.done $0x0  }
0x2b: {  	s17 =	sadd.s32 $0x1, s17  }
0x2c: {  	[sflag:s14] =	ssyncadd.s32 $0xFFFFF800;
	p0 =	sne.s32 s17, s8  }
.Ltmp2:
0x2d: {  	[bflag:$0x0] =	sbarrier.arrive $0xFFFF;
	(pc) =	sbr.rel @p0 .LBB2_1-.Ltmp2, $4  }
0x2e: {  	[hbm:s7], [sflag:s15] =	dma.local [spmem:s16], $0x500  }
0x2f: {  	_ =	swait.ge [sflag:s10], $0x500  }
0x30: {  	[sflag:s10] =	ssyncset.done $0x0  }
0x31: {  	[sflag:s10] =	ssyncadd.s32 $0xFFFFFB00  }
0x32: {  	_ =	sfence.sel $0x180000  }
0x33: {  	[bflag:$0x0] =	sbarrier.arrive $0xFFFF  }
0x34: {  	p0 =	sne.s32 s0, $0x0;
	_ =	strace $0x90000047  }
0x35: {  	s0 =	sadd.s32 @!p0 $0x100000, s1;
	[bflag:$0x2] =	sbarrier.arrive $0xFFFF  }
0x36: {  	[sflag:s0] =	ssyncadd.tile.s32 @!p0 $0x1;
	_ =	shalt  }
.Lfunc_end2:
_tile_overlayer_lowered:
.L_overlay_start_2:
0x37: {  	(tag) =	ssettag $0x2  }
0x38: {  	s0 =	rddreg [dreg:$0x0];
	s2 =	stileid.u32  }
0x39: {  	s1 =	rddreg [dreg:$0x1];
	p0 =	sne.s32 s2, $0x0  }
0x3a: {  	s3 =	rddreg [dreg:$0x2];
	[bflag:$0x3] =	sbarrier.arrive $0xFFFF;
	s2 =	simm.s32 @!p0 $0x1C02  }
0x3b: {  	[timem:s3], [sflag:s2] =	dma.local @!p0 [hbm:s0], s1  }
0x3c: {  	s0 =	simm.s32 @!p0 $0x2  }
0x3d: {  	_ =	swait.ge @!p0 [sflag:s0], s1  }
0x3e: {  	s1 =	ssub.s32 @!p0 $0x0, s1;
	[sflag:s0] =	ssyncset.done @!p0 $0x0  }
0x3f: {  	[sflag:s0] =	ssyncadd.s32 @!p0 s1  }
0x40: {  	[bflag:$0x3] =	sbarrier.arrive $0xFFFF  }
0x41: {  	_ =	shalt  }

// kernel: kernel.9.cloned.1.call-start
scs
__scs_entry_jumppad:
0x0: {  	(pc) =	sbr.rel $0x88, $3  }
0x1: {  	(tag) =	ssettag $0x0;
	lr =	simm.s32 $0x1  }
0x2: {  	[smem:$0x3F96] =	sst lr;
	_ =	strace $0xD0000000  }
0x3: {  	_ = 	snop  }
0x4: {  	_ = 	snop  }
0x5: {  	_ = 	snop  }
0x6: {  	_ = 	snop  }
0x7: {  	_ = 	snop  }
__scs_overlays_trampoline_lowered:
0x8: {  	[smem:$0x3FA5] =	sst s0  }
0x9: {  	[smem:$0x3FA6] =	sst s1  }
0xa: {  	[smem:$0x3FA7] =	sst s2  }
0xb: {  	[smem:$0x3FA8] =	sst s3  }
0xc: {  	[smem:$0x3FA9] =	sst s4  }
0xd: {  	[smem:$0x3FAA] =	sst s5  }
0xe: {  	[smem:$0x3FAB] =	sst s6  }
0xf: {  	[smem:$0x3FAC] =	sst s7  }
0x10: {  	[smem:$0x3FAD] =	sst s8  }
0x11: {  	[smem:$0x3FAE] =	sst s9;
	s0 =	simm.s32 @!p0 $0x0  }
0x12: {  	s1 =	sld [smem:$0x3F94];
	s0 =	simm.s32 @p0 $0x1  }
0x13: {  	[smem:$0x3FAF] =	sst s0;
	s0 =	simm.s32 @!p1 $0x0  }
0x14: {  	s2 =	sld [smem:$0x3F93];
	s0 =	simm.s32 @p1 $0x1  }
0x15: {  	[smem:$0x3FB0] =	sst s0;
	s0 =	simm.s32 @!p2 $0x0  }
0x16: {  	s3 =	sld [smem:$0x3FDB];
	s0 =	simm.s32 @p2 $0x1  }
0x17: {  	s4 =	simm.s32 $0x1BF5;
	[smem:$0x3FB2] =	sst s0  }
0x18: {  	s0 =	sld [smem:$0x3F95];
	_ =	swait.ge [sflag:s4], $0x0  }
0x19: {  	s7 =	sld [smem:$0x3F96]  }
0x1a: {  	s8 =	sadd.s32 $0xFFFFE003, lr  }
0x1b: {  	s9 =	sadd.s32 $0xFFFFFEF7, lr;
	s5 =	simm.s32 $0xFFFFFFFF;
	p2 =	slt.u32 s8, $0xFFFFF086  }
0x1c: {  	p1 =	slt.u32 s9, $0xF7A;
	s5 =	simm.s32 @!p2 $0x0  }
0x1d: {  	s5 =	simm.s32 @p1 $0x1;
	p0 =	seq.s32 s7, s2  }
0x1e: {  	s7 =	smul.u32 @!p0 $0xF7A, s2;
	p2 =	seq.s32 @!p0 s5, $0x0  }
0x1f: {  	s9 =	smul.u32 $0xF7A, s1;
	s8 =	simm.s32 @!p0 $0x1BF5;
	p2 =	por !p2, p0  }
0x20: {  	[sflag:s8] =	ssyncset.s32 @!p0 $0xFFFFF086;
	s6 =	sadd.s32 @!p0 s3, s7;
	s7 =	simm.s32 @!p0 $0x108  }
0x21: {  	s3 =	sadd.s32 s3, s9;
	s6 =	sadd.s32 @!p0 $0x88, s6;
	s7 =	simm.s32 @p2 $0x1082  }
0x22: {  	[simem:s7], [sflag:s8] =	dma.local @!p0 [hbm:s6], $0xF7A  }
0x23: {  	s9 =	sor.u32 $0xD0000000, s2;
	s6 =	simm.s32 $0x108;
	_ =	swait.ge @!p0 [sflag:s8], $0x0  }
0x24: {  	s3 =	sadd.s32 $0x88, s3;
	s6 =	simm.s32 @!p1 $0x1082;
	[sflag:s4] =	ssyncset.s32 $0xFFFFF086  }
0x25: {  	[simem:s6], [sflag:s4] =	dma.local [hbm:s3], $0xF7A  }
0x26: {  	[smem:$0x3F96] =	sst s1;
	(tag) =	ssettag s2;
	_ =	strace s9  }
0x27: {  	s1 =	sld [smem:$0x3FA6]  }
0x28: {  	s2 =	sld [smem:$0x3FA7]  }
0x29: {  	s4 =	sld [smem:$0x3FA9]  }
0x2a: {  	p0 =	seq.s32 s5, $0x0;
	s5 =	sld [smem:$0x3FAA]  }
0x2b: {  	s6 =	sld [smem:$0x3FAB]  }
0x2c: {  	s7 =	sld [smem:$0x3FAC]  }
0x2d: {  	s3 =	simm.s32 $0x108;
	s8 =	sld [smem:$0x3FAD]  }
0x2e: {  	s3 =	simm.s32 @!p0 $0x1082;
	s9 =	sld [smem:$0x3FAE]  }
0x2f: {  	lr =	sadd.s32 s0, s3;
	s0 =	sld [smem:$0x3FA5]  }
0x30: {  	s3 =	sld [smem:$0x3FA8]  }
0x31: {  	[smem:$0x3FB1] =	sst s10  }
0x32: {  	s10 =	sld [smem:$0x3FAF];
	_ =	sdelay $0x3  }
0x33: {  	p0 =	seq.s32 s10, $0x1;
	s10 =	sld [smem:$0x3FB1];
	_ =	sdelay $0x3  }
0x34: {  	[smem:$0x3FB1] =	sst s10  }
0x35: {  	s10 =	sld [smem:$0x3FB0];
	_ =	sdelay $0x3  }
0x36: {  	p1 =	seq.s32 s10, $0x1;
	s10 =	sld [smem:$0x3FB1];
	_ =	sdelay $0x3  }
0x37: {  	[smem:$0x3FB1] =	sst s10  }
0x38: {  	s10 =	sld [smem:$0x3FB2]  }
0x39: {  	_ = 	snop;
	(pc) =	sbr.ind lr, $3  }
0x3a: {  	_ = 	snop  }
0x3b: {  	_ = 	snop  }
0x3c: {  	p2 =	seq.s32 s10, $0x1;
	s10 =	sld [smem:$0x3FB1]  }
0x3d: {  	_ =	shalt  }
0x3e: {  	_ =	shalt  }
0x3f: {  	_ =	shalt  }
0x40: {  	_ =	shalt  }
0x41: {  	_ =	shalt  }
0x42: {  	_ =	shalt  }
0x43: {  	_ =	shalt  }
0x44: {  	_ =	shalt  }
0x45: {  	_ =	shalt  }
0x46: {  	_ =	shalt  }
0x47: {  	_ =	shalt  }
0x48: {  	_ =	shalt  }
0x49: {  	_ =	shalt  }
0x4a: {  	_ =	shalt  }
0x4b: {  	_ =	shalt  }
0x4c: {  	_ =	shalt  }
0x4d: {  	_ =	shalt  }
0x4e: {  	_ =	shalt  }
0x4f: {  	_ =	shalt  }
0x50: {  	_ =	shalt  }
0x51: {  	_ =	shalt  }
0x52: {  	_ =	shalt  }
0x53: {  	_ =	shalt  }
0x54: {  	_ =	shalt  }
0x55: {  	_ =	shalt  }
0x56: {  	_ =	shalt  }
0x57: {  	_ =	shalt  }
0x58: {  	_ =	shalt  }
0x59: {  	_ =	shalt  }
0x5a: {  	_ =	shalt  }
0x5b: {  	_ =	shalt  }
0x5c: {  	_ =	shalt  }
0x5d: {  	_ =	shalt  }
0x5e: {  	_ =	shalt  }
0x5f: {  	_ =	shalt  }
0x60: {  	_ =	shalt  }
0x61: {  	_ =	shalt  }
0x62: {  	_ =	shalt  }
0x63: {  	_ =	shalt  }
0x64: {  	_ =	shalt  }
0x65: {  	_ =	shalt  }
0x66: {  	_ =	shalt  }
0x67: {  	_ =	shalt  }
0x68: {  	_ =	shalt  }
0x69: {  	_ =	shalt  }
0x6a: {  	_ =	shalt  }
0x6b: {  	_ =	shalt  }
0x6c: {  	_ =	shalt  }
0x6d: {  	_ =	shalt  }
0x6e: {  	_ =	shalt  }
0x6f: {  	_ =	shalt  }
0x70: {  	_ =	shalt  }
0x71: {  	_ =	shalt  }
0x72: {  	_ =	shalt  }
0x73: {  	_ =	shalt  }
0x74: {  	_ =	shalt  }
0x75: {  	_ =	shalt  }
0x76: {  	_ =	shalt  }
0x77: {  	_ =	shalt  }
0x78: {  	_ =	shalt  }
0x79: {  	_ =	shalt  }
0x7a: {  	_ =	shalt  }
0x7b: {  	_ =	shalt  }
0x7c: {  	_ =	shalt  }
0x7d: {  	_ =	shalt  }
0x7e: {  	_ =	shalt  }
0x7f: {  	_ =	shalt  }
0x80: {  	_ =	shalt  }
0x81: {  	_ =	shalt  }
0x82: {  	_ =	shalt  }
0x83: {  	_ =	shalt  }
0x84: {  	_ =	shalt  }
0x85: {  	_ =	shalt  }
0x86: {  	_ =	shalt  }
0x87: {  	_ =	shalt  }
.Lfunc_end0:
.L_simem_size_0:
called_computation.1_lowered:
.L_overlay_start_0:
0x88: {  	s2 =	sld [smem:$0x3FD9]  }
0x89: {  	s3 =	sld [smem:$0x3FFE];
	_ =	sdelay $0x1  }
0x8a: {  	s1 =	srdreg.scid  }
0x8b: {  	s0 =	sand.u32 $0x1, s1  }
0x8c: {  	s16 =	sshll.u32 s0, $0xA;
	s2 =	sadd.s32 s3, s2  }
0x8d: {  	s2 =	sadd.s32 s2, s16  }
0x8e: {  	[smem:$0x3FBD] =	sst s2  }
0x8f: {  	_ = 	snop  }
0x90: {  	(tm) =	ssettm $0x1  }
0x91: {  	s17 =	sld [smem:$0x3FFB];
	_ =	sdelay $0x3  }
0x92: {  	_ =	strace s17  }
0x93: {  	s2 =	sld [smem:$0x3FFC];
	_ =	sdelay $0x3  }
0x94: {  	_ =	strace s2  }
0x95: {  	s2 =	sld [smem:$0x3FFD];
	_ =	sdelay $0x3  }
0x96: {  	_ =	strace s2  }
0x97: {  	_ =	strace $0x8FFFFFFF  }
0x98: {  	s18 =	sld [smem:$0x3FDB];
	_ =	sdelay $0x1  }
0x99: {  	s19 =	simm.s32 $_scs_section_size  }
0x9a: {  	s4 =	simm.s32 $_size__tile_overlayer_lowered;
	s5 =	simm.s32 $_tile_overlayer_lowered  }
0x9b: {  	s22 =	simm.s32 $0x1BFF;
	s21 =	sshll.u32 s5, $0x1;
	s2 =	sadd.s32 s19, s18  }
0x9c: {  	s6 =	simm.s32 $0x0;
	s20 =	sshll.u32 s4, $0x1;
	s4 =	sadd.s32 s21, s2  }
0x9d: {  	[timem:s6], [sflag:s22] =	dma.local [hbm:s4], s20  }
0x9e: {  	_ =	swait.ge [sflag:s22], s20  }
0x9f: {  	s3 =	ssub.s32 $0x0, s20;
	[sflag:s22] =	ssyncset.done $0x0  }
0xa0: {  	[sflag:s22] =	ssyncadd.s32 s3;
	_ =	sdelay $0x1  }
0xa1: {  	s23 =	simm.s32 $0x1B8B  }
0xa2: {  	_ =	swait.ge [sflag:s23], $0x1  }
0xa3: {  	[sflag:s23] =	ssyncset.done $0x0  }
0xa4: {  	s25 =	simm.s32 $0x1B8E;
	s24 =	sld [smem:$0x3FFE];
	[sflag:s23] =	ssyncadd.s32 $0xFFFFFFFF  }
0xa5: {  	s26 =	simm.s32 $execute0_lowered;
	[smem:$0x3FD2] =	sst s25  }
0xa6: {  	s4 =	sshll.u32 s26, $0x1;
	_ =	strace $0x80000049;
	[dreg:$0x1] =	wrdreg $0xFFFFFFFF  }
0xa7: {  	s28 =	simm.s32 $_size_execute0_lowered;
	s2 =	sadd.s32 s2, s4;
	[dreg:$0x0] =	wrdreg $0x0  }
0xa8: {  	s4 =	sshll.u32 s28, $0x1;
	[dreg:$0x2] =	wrdreg s2  }
0xa9: {  	[dreg:$0x3] =	wrdreg s4  }
0xaa: {  	[dreg:$0x4] =	wrdreg $0xC0  }
0xab: {  	_ =	task [dreg:s6], $0x5FFFF  }
0xac: {  	[dreg:$0x1] =	wrdreg $0xFFFFFFFF  }
0xad: {  	[dreg:$0x0] =	wrdreg $0x60  }
0xae: {  	[dreg:$0x2] =	wrdreg s24  }
0xaf: {  	[dreg:$0x3] =	wrdreg $0x130000  }
0xb0: {  	[dreg:$0x4] =	wrdreg $0x9  }
0xb1: {  	_ =	task.clear_ibuf [dreg:s6], $0x5FFFF;
	_ =	strace $0x90000049  }
0xb2: {  	s29 =	simm.s32 $0x9;
	_ =	strace $0x8000004B  }
0xb3: {  	_ =	swait.ge [sflag:s29], $0x1  }
0xb4: {  	[sflag:s29] =	ssyncadd.s32 $0xFFFFFFFF  }
0xb5: {  	_ =	strace $0x9000004B  }
0xb6: {  	_ =	sfence  }
0xb7: {  	s30 =	sld [smem:$0x0];
	_ =	sdelay $0x2  }
0xb8: {  	s31 =	sshll.u32 s1, $0xD;
	s1 =	sshrl.u32 s1, $0x2  }
0xb9: {  	s3 =	sand.u32 $0x4000, s31;
	s1 =	sadd.s32 s1, s30  }
0xba: {  	s0 =	sor.u32 s3, s0;
	s1 =	sshll.u32 s1, $0x11  }
0xbb: {  	s0 =	sor.u32 s1, s0  }
0xbc: {  	s0 =	sadd.s32 $0x8F2B, s0  }
0xbd: {  	[sflag:s0] =	ssyncadd.remote.s32 $0x1  }
0xbe: {  	_ =	sfence.sel $0xFFFF  }
0xbf: {  	[dreg:$0x0] =	wrdreg $0xFFFFFFFF;
	(pc) =	sbr.abs _section_cstart, $3  }
0xc0: {  	[dreg:$0x1] =	wrdreg $0xFFFFFFFF  }
0xc1: {  	_ =	task.clear_ibuf [dreg:s6], $0x2FFFF;
	_ =	strace $0x9FFFFFFF  }
0xc2: {  	(tm) =	ssettm $0x7FFFFFFF  }
0xc3: {  	_ =	shalt  }
tec
execute0_lowered:
.L_overlay_start_1:
0x0: {  	(tag) =	ssettag $0x1  }
0x1: {  	s9 =	rddreg [dreg:$0x0]  }
0x2: {  	s2 =	rddreg [dreg:$0x1];
	s1 =	stileid.u32  }
0x3: {  	s3 =	simm.s32 $0x0;
	s5 =	srdreg.scid;
	s17 =	simm.s32 $0x9000  }
0x4: {  	s18 =	simm.s32 $0x80;
	s19 =	simm.s32 $0x5000;
	s20 =	simm.s32 $0x1  }
0x5: {  	s21 =	simm.s32 $0x7000;
	s22 =	simm.s32 $0x2;
	s23 =	simm.s32 $0x2780  }
0x6: {  	s24 =	simm.s32 $0x4F00;
	s25 =	simm.s32 $0x4F80;
	s26 =	simm.s32 $0x0  }
0x7: {  	s4 =	smul.u32 $0x500, s1;
	[smem:$0x7FF] =	sst s3;
	s15 =	sand.u32 $0x1, s5  }
0x8: {  	s8 =	smul.u32 $0x280, s1;
	s5 =	sadd.s32 $0x68800, s9;
	s6 =	sadd.s32 $0x7C800, s9  }
0x9: {  	s7 =	sadd.s32 $0x90800, s9;
	s13 =	smul.u32 $0x28000, s1;
	_ =	strace $0x8000004A  }
0xa: {  	s10 =	smul.u32 $0x5000, s15;
	s12 =	ssub.s32 $0x2, s15;
	p0 =	sne.s32 s15, $0x0  }
0xb: {  	s15 =	simm.s32 $0x3;
	s11 =	sadd.s32 s4, s9;
	s4 =	sadd.s32 $0x17400, s9  }
.Ltmp0:
0xc: {  	s30 =	sshrl.u32 s12, $0x1;
	s8 =	sadd.s32 s8, s10;
	(pc) =	sbr.rel .LBB2_1-.Ltmp0, $4  }
0xd: {  	s31 =	sshrl.u32 s13, $0x2;
	s16 =	ssub.s32 s12, s30;
	s10 =	sshll.u32 s8, $0x3  }
0xe: {  	s8 =	sadd.s32 $0xA4800, s9;
	s14 =	sadd.s32 s10, s9;
	s9 =	sadd.s32 $0x7C00, s11  }
0xf: {  	s10 =	sadd.s32 $0x2C00, s11;
	s11 =	sadd.s32 s31, s2;
	s12 =	sadd.s32 $0xB8800, s14  }
0x10: {  	s13 =	sadd.s32 $0xCC800, s14;
	s14 =	smax.u32 s16, $0x1;
	s16 =	simm.s32 $0x2800  }
.LBB2_14:
0x11: {  	[sflag:s15] =	ssyncadd.s32 $0xFFFFE000  }
0x12: {  	_ =	swait.ge [sflag:s20], $0x2000  }
0x13: {  	[sflag:s20] =	ssyncset.done $0x0  }
0x14: {  	[sflag:s20] =	ssyncadd.s32 $0xFFFFE000  }
0x15: {  	[tilespmem:s21], [sflag:$0x2] =	stream.indirect.gather [hbm4b:s8+s18], $0x40, s23, s18, $0xb8;
	[tilespmem:$0x1D000] =	vst v63  }
.LBB2_15:
0x16: {  	[spmem:s2] =	stream.indirect.scatter.add.bf16 [tilespmem:s19], [sflag:$0x3], $0x40, s24, s18, $0xb8;
	[tilespmem:$0x1D000] =	vst v63  }
0x17: {  	_ =	swait.ge [sflag:s15], $0x2000  }
0x18: {  	[sflag:s15] =	ssyncset.done $0x0  }
0x19: {  	[sflag:s15] =	ssyncadd.s32 $0xFFFFE000  }
0x1a: {  	_ =	swait.ge [sflag:s22], $0x2000  }
0x1b: {  	[sflag:s22] =	ssyncset.done $0x0  }
0x1c: {  	[sflag:s22] =	ssyncadd.s32 $0xFFFFE000  }
0x1d: {  	[spmem:s2] =	stream.indirect.scatter.add.bf16 [tilespmem:s21], [sflag:$0x3], $0x40, s25, s18, $0xb8;
	[tilespmem:$0x1D000] =	vst v63  }
0x1e: {  	_ =	swait.ge [sflag:s15], $0x2000  }
0x1f: {  	s26 =	sadd.s32 $0x1, s26;
	[sflag:s15] =	ssyncset.done $0x0  }
0x20: {  	p1 =	sne.s32 s26, s14;
	[sflag:s15] =	ssyncadd.s32 $0xFFFFE000  }
.Ltmp1:
0x21: {  	[bflag:$0x0] =	sbarrier.arrive $0xFFFF;
	(pc) =	sbr.rel @!p1 .LBB2_16-.Ltmp1, $4  }
0x22: {  	[hbm:s13], [sflag:s28] =	dma.local [spmem:s29], $0x1400  }
0x23: {  	_ =	swait.ge [sflag:s15], $0x1400  }
0x24: {  	[sflag:s15] =	ssyncset.done $0x0  }
0x25: {  	[sflag:s15] =	ssyncadd.s32 $0xFFFFEC00  }
.LBB2_1:
0x26: {  	[tilespmem:s3], [sflag:$0x3] =	stream.linear.gather [hbm4b:s9+s3], $0x2800, $0x38;
	[tilespmem:$0x1D000] =	vst v63  }
0x27: {  	_ =	swait.ge [sflag:s15], $0x2800  }
0x28: {  	[sflag:s15] =	ssyncset.done $0x0  }
0x29: {  	[sflag:s15] =	ssyncadd.s32 $0xFFFFD800  }
0x2a: {  	[tilespmem:s16], [sflag:$0x3] =	stream.linear.gather [hbm4b:s10+s3], $0x2800, $0x38;
	[tilespmem:$0x1D000] =	vst v63  }
0x2b: {  	_ =	swait.ge [sflag:s15], $0x2800  }
0x2c: {  	[sflag:s15] =	ssyncset.done $0x0  }
0x2d: {  	[sflag:s15] =	ssyncadd.s32 $0xFFFFD800  }
0x2e: {  	[tilespmem:s17], [sflag:$0x3] =	stream.linear.gather [hbm4b:s4+s3], $0xA000, $0x38;
	[tilespmem:$0x1D000] =	vst v63  }
0x2f: {  	_ =	swait.ge [sflag:s15], $0xA000  }
0x30: {  	[sflag:s15] =	ssyncset.done $0x0  }
0x31: {  	[sflag:s15] =	ssyncadd.s32 $0xFFFF6000  }
0x32: {  	[spmem:s11] =	stream.linear.scatter [tilespmem:s17], [sflag:$0x3], $0xA000, $0x38;
	[tilespmem:$0x1D000] =	vst v63  }
.Ltmp2:
0x33: {  	_ =	swait.ge [sflag:s15], $0xA000;
	(pc) =	sbr.rel @p0 .LBB2_5-.Ltmp2, $4  }
0x34: {  	[sflag:s15] =	ssyncset.done $0x0  }
0x35: {  	[sflag:s15] =	ssyncadd.s32 $0xFFFF6000  }
0x36: {  	[bflag:$0x0] =	sbarrier.arrive $0xFFFF  }
0x37: {  	s28 =	simm.s32 $0x0  }
0x38: {  	[tilespmem:s19], [sflag:$0x1] =	stream.indirect.gather [hbm4b:s5+s18], $0x40, s28, s18, $0xb8;
	[tilespmem:$0x1D000] =	vst v63  }
0x39: {  	_ =	swait.ge [sflag:s20], $0x2000  }
0x3a: {  	[sflag:s20] =	ssyncset.done $0x0  }
0x3b: {  	s28 =	simm.s32 $0x80;
	[sflag:s20] =	ssyncadd.s32 $0xFFFFE000  }
0x3c: {  	[tilespmem:s21], [sflag:$0x2] =	stream.indirect.gather [hbm4b:s5+s18], $0x40, s28, s18, $0xb8;
	[tilespmem:$0x1D000] =	vst v63  }
0x3d: {  	s28 =	simm.s32 $0x2800  }
0x3e: {  	[spmem:s2] =	stream.indirect.scatter.add.bf16 [tilespmem:s19], [sflag:$0x3], $0x40, s28, s18, $0xb8;
	[tilespmem:$0x1D000] =	vst v63  }
0x3f: {  	_ =	swait.ge [sflag:s15], $0x2000  }
0x40: {  	[sflag:s15] =	ssyncset.done $0x0  }
0x41: {  	[sflag:s15] =	ssyncadd.s32 $0xFFFFE000  }
0x42: {  	_ =	swait.ge [sflag:s22], $0x2000  }
0x43: {  	[sflag:s22] =	ssyncset.done $0x0  }
0x44: {  	s28 =	simm.s32 $0x100;
	[sflag:s22] =	ssyncadd.s32 $0xFFFFE000  }
0x45: {  	[tilespmem:s19], [sflag:$0x1] =	stream.indirect.gather [hbm4b:s5+s18], $0x40, s28, s18, $0xb8;
	[tilespmem:$0x1D000] =	vst v63  }
0x46: {  	s28 =	simm.s32 $0x2880  }
0x47: {  	[spmem:s2] =	stream.indirect.scatter.add.bf16 [tilespmem:s21], [sflag:$0x3], $0x40, s28, s18, $0xb8;
	[tilespmem:$0x1D000] =	vst v63  }
0x48: {  	_ =	swait.ge [sflag:s15], $0x2000  }
0x49: {  	s28 =	simm.s32 $0x400;
	[sflag:s15] =	ssyncset.done $0x0  }
.LBB2_3:
0x4a: {  	p1 =	seq.s32 s28, $0x9800  }
0x4b: {  	[sflag:s15] =	ssyncadd.s32 $0xFFFFE000;
	s29 =	smov.u32 s28;
	s28 =	sadd.s32 $0x400, s28  }
0x4c: {  	_ = 	snop  }
0x4d: {  	_ =	swait.ge [sflag:s20], $0x2000  }
0x4e: {  	s29 =	sshra.s32 s29, $0x2;
	[sflag:s20] =	ssyncset.done $0x0  }
0x4f: {  	s30 =	sadd.s32 $0x80, s29;
	[sflag:s20] =	ssyncadd.s32 $0xFFFFE000  }
0x50: {  	[tilespmem:s21], [sflag:$0x2] =	stream.indirect.gather [hbm4b:s5+s18], $0x40, s30, s18, $0xb8;
	[tilespmem:$0x1D000] =	vst v63  }
0x51: {  	s30 =	sadd.s32 $0x2800, s29  }
0x52: {  	[spmem:s2] =	stream.indirect.scatter.add.bf16 [tilespmem:s19], [sflag:$0x3], $0x40, s30, s18, $0xb8;
	[tilespmem:$0x1D000] =	vst v63  }
0x53: {  	_ =	swait.ge [sflag:s15], $0x2000  }
0x54: {  	[sflag:s15] =	ssyncset.done $0x0  }
0x55: {  	[sflag:s15] =	ssyncadd.s32 $0xFFFFE000  }
0x56: {  	_ =	swait.ge [sflag:s22], $0x2000  }
0x57: {  	[sflag:s22] =	ssyncset.done $0x0  }
0x58: {  	s30 =	sadd.s32 $0x100, s29;
	[sflag:s22] =	ssyncadd.s32 $0xFFFFE000  }
0x59: {  	[tilespmem:s19], [sflag:$0x1] =	stream.indirect.gather [hbm4b:s5+s18], $0x40, s30, s18, $0xb8;
	[tilespmem:$0x1D000] =	vst v63  }
.Ltmp3:
0x5a: {  	_ = 	snop;
	(pc) =	sbr.rel @!p1 .LBB2_3-.Ltmp3, $4  }
0x5b: {  	s29 =	sadd.s32 $0x2880, s29  }
0x5c: {  	[spmem:s2] =	stream.indirect.scatter.add.bf16 [tilespmem:s21], [sflag:$0x3], $0x40, s29, s18, $0xb8;
	[tilespmem:$0x1D000] =	vst v63  }
0x5d: {  	_ =	swait.ge [sflag:s15], $0x2000  }
0x5e: {  	[sflag:s15] =	ssyncset.done $0x0  }
.Ltmp4:
0x5f: {  	[sflag:s15] =	ssyncadd.s32 $0xFFFFE000;
	(pc) =	sbr.rel .LBB2_8-.Ltmp4, $4  }
0x60: {  	_ =	swait.ge [sflag:s20], $0x2000  }
0x61: {  	[sflag:s20] =	ssyncset.done $0x0  }
0x62: {  	[sflag:s20] =	ssyncadd.s32 $0xFFFFE000  }
0x63: {  	[tilespmem:s21], [sflag:$0x2] =	stream.indirect.gather [hbm4b:s5+s18], $0x40, s23, s18, $0xb8;
	[tilespmem:$0x1D000] =	vst v63  }
.LBB2_5:
0x64: {  	[tilespmem:s19], [sflag:$0x1] =	stream.indirect.gather [hbm4b:s7+s18], $0x40, s28, s18, $0xb8;
	[tilespmem:$0x1D000] =	vst v63  }
0x65: {  	_ =	swait.ge [sflag:s20], $0x2000  }
0x66: {  	[sflag:s20] =	ssyncset.done $0x0  }
0x67: {  	s28 =	simm.s32 $0x80;
	[sflag:s20] =	ssyncadd.s32 $0xFFFFE000  }
0x68: {  	[tilespmem:s21], [sflag:$0x2] =	stream.indirect.gather [hbm4b:s7+s18], $0x40, s28, s18, $0xb8;
	[tilespmem:$0x1D000] =	vst v63  }
0x69: {  	s28 =	simm.s32 $0x2800  }
0x6a: {  	[spmem:s2] =	stream.indirect.scatter.add.bf16 [tilespmem:s19], [sflag:$0x3], $0x40, s28, s18, $0xb8;
	[tilespmem:$0x1D000] =	vst v63  }
0x6b: {  	_ =	swait.ge [sflag:s15], $0x2000  }
0x6c: {  	[sflag:s15] =	ssyncset.done $0x0  }
0x6d: {  	[sflag:s15] =	ssyncadd.s32 $0xFFFFE000  }
0x6e: {  	_ =	swait.ge [sflag:s22], $0x2000  }
0x6f: {  	[sflag:s22] =	ssyncset.done $0x0  }
0x70: {  	s28 =	simm.s32 $0x100;
	[sflag:s22] =	ssyncadd.s32 $0xFFFFE000  }
0x71: {  	[tilespmem:s19], [sflag:$0x1] =	stream.indirect.gather [hbm4b:s7+s18], $0x40, s28, s18, $0xb8;
	[tilespmem:$0x1D000] =	vst v63  }
0x72: {  	s28 =	simm.s32 $0x2880  }
0x73: {  	[spmem:s2] =	stream.indirect.scatter.add.bf16 [tilespmem:s21], [sflag:$0x3], $0x40, s28, s18, $0xb8;
	[tilespmem:$0x1D000] =	vst v63  }
0x74: {  	_ =	swait.ge [sflag:s15], $0x2000  }
0x75: {  	s28 =	simm.s32 $0x400;
	[sflag:s15] =	ssyncset.done $0x0  }
.LBB2_6:
0x76: {  	p1 =	seq.s32 s28, $0x9800  }
0x77: {  	[sflag:s15] =	ssyncadd.s32 $0xFFFFE000;
	s29 =	smov.u32 s28;
	s28 =	sadd.s32 $0x400, s28  }
0x78: {  	_ = 	snop  }
0x79: {  	_ =	swait.ge [sflag:s20], $0x2000  }
0x7a: {  	s29 =	sshra.s32 s29, $0x2;
	[sflag:s20] =	ssyncset.done $0x0  }
0x7b: {  	s30 =	sadd.s32 $0x80, s29;
	[sflag:s20] =	ssyncadd.s32 $0xFFFFE000  }
0x7c: {  	[tilespmem:s21], [sflag:$0x2] =	stream.indirect.gather [hbm4b:s7+s18], $0x40, s30, s18, $0xb8;
	[tilespmem:$0x1D000] =	vst v63  }
0x7d: {  	s30 =	sadd.s32 $0x2800, s29  }
0x7e: {  	[spmem:s2] =	stream.indirect.scatter.add.bf16 [tilespmem:s19], [sflag:$0x3], $0x40, s30, s18, $0xb8;
	[tilespmem:$0x1D000] =	vst v63  }
0x7f: {  	_ =	swait.ge [sflag:s15], $0x2000  }
0x80: {  	[sflag:s15] =	ssyncset.done $0x0  }
0x81: {  	[sflag:s15] =	ssyncadd.s32 $0xFFFFE000  }
0x82: {  	_ =	swait.ge [sflag:s22], $0x2000  }
0x83: {  	[sflag:s22] =	ssyncset.done $0x0  }
0x84: {  	s30 =	sadd.s32 $0x100, s29;
	[sflag:s22] =	ssyncadd.s32 $0xFFFFE000  }
0x85: {  	[tilespmem:s19], [sflag:$0x1] =	stream.indirect.gather [hbm4b:s7+s18], $0x40, s30, s18, $0xb8;
	[tilespmem:$0x1D000] =	vst v63  }
.Ltmp5:
0x86: {  	_ = 	snop;
	(pc) =	sbr.rel @!p1 .LBB2_6-.Ltmp5, $4  }
0x87: {  	s29 =	sadd.s32 $0x2880, s29  }
0x88: {  	[spmem:s2] =	stream.indirect.scatter.add.bf16 [tilespmem:s21], [sflag:$0x3], $0x40, s29, s18, $0xb8;
	[tilespmem:$0x1D000] =	vst v63  }
0x89: {  	_ =	swait.ge [sflag:s15], $0x2000  }
0x8a: {  	[sflag:s15] =	ssyncset.done $0x0  }
0x8b: {  	[sflag:s15] =	ssyncadd.s32 $0xFFFFE000  }
0x8c: {  	_ =	swait.ge [sflag:s20], $0x2000  }
0x8d: {  	[sflag:s20] =	ssyncset.done $0x0  }
0x8e: {  	[sflag:s20] =	ssyncadd.s32 $0xFFFFE000  }
0x8f: {  	[tilespmem:s21], [sflag:$0x2] =	stream.indirect.gather [hbm4b:s7+s18], $0x40, s23, s18, $0xb8;
	[tilespmem:$0x1D000] =	vst v63  }
.LBB2_8:
0x90: {  	[spmem:s2] =	stream.indirect.scatter.add.bf16 [tilespmem:s19], [sflag:$0x3], $0x40, s24, s18, $0xb8;
	[tilespmem:$0x1D000] =	vst v63  }
0x91: {  	_ =	swait.ge [sflag:s15], $0x2000  }
0x92: {  	[sflag:s15] =	ssyncset.done $0x0  }
0x93: {  	[sflag:s15] =	ssyncadd.s32 $0xFFFFE000  }
0x94: {  	_ =	swait.ge [sflag:s22], $0x2000  }
0x95: {  	[sflag:s22] =	ssyncset.done $0x0  }
0x96: {  	[sflag:s22] =	ssyncadd.s32 $0xFFFFE000  }
0x97: {  	[spmem:s2] =	stream.indirect.scatter.add.bf16 [tilespmem:s21], [sflag:$0x3], $0x40, s25, s18, $0xb8;
	[tilespmem:$0x1D000] =	vst v63  }
0x98: {  	_ =	swait.ge [sflag:s15], $0x2000  }
0x99: {  	[sflag:s15] =	ssyncset.done $0x0  }
0x9a: {  	s28 =	sshll.u32 s1, $0x6;
	[sflag:s15] =	ssyncadd.s32 $0xFFFFE000  }
0x9b: {  	s29 =	sshrl.u32 s11, $0x3;
	s28 =	sor.u32 $0x1C03, s28;
	[bflag:$0x0] =	sbarrier.arrive $0xFFFF  }
0x9c: {  	[hbm:s12], [sflag:s28] =	dma.local [spmem:s29], $0x1400  }
0x9d: {  	_ =	swait.ge [sflag:s15], $0x1400  }
0x9e: {  	[sflag:s15] =	ssyncset.done $0x0  }
0x9f: {  	[sflag:s15] =	ssyncadd.s32 $0xFFFFEC00  }
0xa0: {  	[spmem:s11] =	stream.linear.scatter [tilespmem:s17], [sflag:$0x3], $0xA000, $0x38;
	[tilespmem:$0x1D000] =	vst v63  }
.Ltmp6:
0xa1: {  	_ =	swait.ge [sflag:s15], $0xA000;
	(pc) =	sbr.rel @p0 .LBB2_12-.Ltmp6, $3  }
0xa2: {  	[sflag:s15] =	ssyncset.done $0x0  }
0xa3: {  	[sflag:s15] =	ssyncadd.s32 $0xFFFF6000  }
0xa4: {  	[bflag:$0x0] =	sbarrier.arrive $0xFFFF;
	_ =	sdelay $0x1  }
0xa5: {  	s30 =	simm.s32 $0x0  }
0xa6: {  	[tilespmem:s19], [sflag:$0x1] =	stream.indirect.gather [hbm4b:s6+s18], $0x40, s30, s18, $0xb8;
	[tilespmem:$0x1D000] =	vst v63  }
0xa7: {  	_ =	swait.ge [sflag:s20], $0x2000  }
0xa8: {  	[sflag:s20] =	ssyncset.done $0x0  }
0xa9: {  	s30 =	simm.s32 $0x80;
	[sflag:s20] =	ssyncadd.s32 $0xFFFFE000  }
0xaa: {  	[tilespmem:s21], [sflag:$0x2] =	stream.indirect.gather [hbm4b:s6+s18], $0x40, s30, s18, $0xb8;
	[tilespmem:$0x1D000] =	vst v63  }
0xab: {  	s30 =	simm.s32 $0x2800  }
0xac: {  	[spmem:s2] =	stream.indirect.scatter.add.bf16 [tilespmem:s19], [sflag:$0x3], $0x40, s30, s18, $0xb8;
	[tilespmem:$0x1D000] =	vst v63  }
0xad: {  	_ =	swait.ge [sflag:s15], $0x2000  }
0xae: {  	[sflag:s15] =	ssyncset.done $0x0  }
0xaf: {  	[sflag:s15] =	ssyncadd.s32 $0xFFFFE000  }
0xb0: {  	_ =	swait.ge [sflag:s22], $0x2000  }
0xb1: {  	[sflag:s22] =	ssyncset.done $0x0  }
0xb2: {  	s30 =	simm.s32 $0x100;
	[sflag:s22] =	ssyncadd.s32 $0xFFFFE000  }
0xb3: {  	[tilespmem:s19], [sflag:$0x1] =	stream.indirect.gather [hbm4b:s6+s18], $0x40, s30, s18, $0xb8;
	[tilespmem:$0x1D000] =	vst v63  }
0xb4: {  	s30 =	simm.s32 $0x2880  }
0xb5: {  	[spmem:s2] =	stream.indirect.scatter.add.bf16 [tilespmem:s21], [sflag:$0x3], $0x40, s30, s18, $0xb8;
	[tilespmem:$0x1D000] =	vst v63  }
0xb6: {  	_ =	swait.ge [sflag:s15], $0x2000  }
0xb7: {  	s30 =	simm.s32 $0x400;
	[sflag:s15] =	ssyncset.done $0x0  }
.LBB2_10:
0xb8: {  	p1 =	seq.s32 s30, $0x9800  }
0xb9: {  	[sflag:s15] =	ssyncadd.s32 $0xFFFFE000;
	s31 =	smov.u32 s30;
	s30 =	sadd.s32 $0x400, s30  }
0xba: {  	_ = 	snop  }
0xbb: {  	_ =	swait.ge [sflag:s20], $0x2000  }
0xbc: {  	s31 =	sshra.s32 s31, $0x2;
	[sflag:s20] =	ssyncset.done $0x0  }
0xbd: {  	s0 =	sadd.s32 $0x80, s31;
	[sflag:s20] =	ssyncadd.s32 $0xFFFFE000  }
0xbe: {  	[tilespmem:s21], [sflag:$0x2] =	stream.indirect.gather [hbm4b:s6+s18], $0x40, s0, s18, $0xb8;
	[tilespmem:$0x1D000] =	vst v63  }
0xbf: {  	s0 =	sadd.s32 $0x2800, s31  }
0xc0: {  	[spmem:s2] =	stream.indirect.scatter.add.bf16 [tilespmem:s19], [sflag:$0x3], $0x40, s0, s18, $0xb8;
	[tilespmem:$0x1D000] =	vst v63  }
0xc1: {  	_ =	swait.ge [sflag:s15], $0x2000  }
0xc2: {  	[sflag:s15] =	ssyncset.done $0x0  }
0xc3: {  	[sflag:s15] =	ssyncadd.s32 $0xFFFFE000  }
0xc4: {  	_ =	swait.ge [sflag:s22], $0x2000  }
0xc5: {  	[sflag:s22] =	ssyncset.done $0x0  }
0xc6: {  	s0 =	sadd.s32 $0x100, s31;
	[sflag:s22] =	ssyncadd.s32 $0xFFFFE000  }
0xc7: {  	[tilespmem:s19], [sflag:$0x1] =	stream.indirect.gather [hbm4b:s6+s18], $0x40, s0, s18, $0xb8;
	[tilespmem:$0x1D000] =	vst v63  }
.Ltmp7:
0xc8: {  	_ = 	snop;
	(pc) =	sbr.rel @!p1 .LBB2_10-.Ltmp7, $4  }
0xc9: {  	s0 =	sadd.s32 $0x2880, s31  }
0xca: {  	[spmem:s2] =	stream.indirect.scatter.add.bf16 [tilespmem:s21], [sflag:$0x3], $0x40, s0, s18, $0xb8;
	[tilespmem:$0x1D000] =	vst v63  }
0xcb: {  	_ =	swait.ge [sflag:s15], $0x2000  }
0xcc: {  	[sflag:s15] =	ssyncset.done $0x0  }
.Ltmp8:
0xcd: {  	[sflag:s15] =	ssyncadd.s32 $0xFFFFE000;
	(pc) =	sbr.rel .LBB2_15-.Ltmp8, $4  }
0xce: {  	_ =	swait.ge [sflag:s20], $0x2000  }
0xcf: {  	[sflag:s20] =	ssyncset.done $0x0  }
0xd0: {  	[sflag:s20] =	ssyncadd.s32 $0xFFFFE000  }
0xd1: {  	[tilespmem:s21], [sflag:$0x2] =	stream.indirect.gather [hbm4b:s6+s18], $0x40, s23, s18, $0xb8;
	[tilespmem:$0x1D000] =	vst v63  }
.LBB2_12:
0xd2: {  	s0 =	simm.s32 $0x0  }
0xd3: {  	[tilespmem:s19], [sflag:$0x1] =	stream.indirect.gather [hbm4b:s8+s18], $0x40, s0, s18, $0xb8;
	[tilespmem:$0x1D000] =	vst v63  }
0xd4: {  	_ =	swait.ge [sflag:s20], $0x2000  }
0xd5: {  	[sflag:s20] =	ssyncset.done $0x0  }
0xd6: {  	s31 =	simm.s32 $0x80;
	[sflag:s20] =	ssyncadd.s32 $0xFFFFE000  }
0xd7: {  	[tilespmem:s21], [sflag:$0x2] =	stream.indirect.gather [hbm4b:s8+s18], $0x40, s31, s18, $0xb8;
	[tilespmem:$0x1D000] =	vst v63  }
0xd8: {  	s31 =	simm.s32 $0x2800  }
0xd9: {  	[spmem:s2] =	stream.indirect.scatter.add.bf16 [tilespmem:s19], [sflag:$0x3], $0x40, s31, s18, $0xb8;
	[tilespmem:$0x1D000] =	vst v63  }
0xda: {  	_ =	swait.ge [sflag:s15], $0x2000  }
0xdb: {  	[sflag:s15] =	ssyncset.done $0x0  }
0xdc: {  	[sflag:s15] =	ssyncadd.s32 $0xFFFFE000  }
0xdd: {  	_ =	swait.ge [sflag:s22], $0x2000  }
0xde: {  	[sflag:s22] =	ssyncset.done $0x0  }
0xdf: {  	s31 =	simm.s32 $0x100;
	[sflag:s22] =	ssyncadd.s32 $0xFFFFE000  }
0xe0: {  	[tilespmem:s19], [sflag:$0x1] =	stream.indirect.gather [hbm4b:s8+s18], $0x40, s31, s18, $0xb8;
	[tilespmem:$0x1D000] =	vst v63  }
0xe1: {  	s31 =	simm.s32 $0x2880  }
0xe2: {  	[spmem:s2] =	stream.indirect.scatter.add.bf16 [tilespmem:s21], [sflag:$0x3], $0x40, s31, s18, $0xb8;
	[tilespmem:$0x1D000] =	vst v63  }
0xe3: {  	_ =	swait.ge [sflag:s15], $0x2000  }
0xe4: {  	s30 =	simm.s32 $0x400;
	[sflag:s15] =	ssyncset.done $0x0  }
.LBB2_13:
0xe5: {  	p1 =	seq.s32 s30, $0x9800  }
0xe6: {  	[sflag:s15] =	ssyncadd.s32 $0xFFFFE000;
	s0 =	smov.u32 s30;
	s30 =	sadd.s32 $0x400, s30  }
0xe7: {  	_ = 	snop  }
0xe8: {  	_ =	swait.ge [sflag:s20], $0x2000  }
0xe9: {  	s0 =	sshra.s32 s0, $0x2;
	[sflag:s20] =	ssyncset.done $0x0  }
0xea: {  	s31 =	sadd.s32 $0x80, s0;
	[sflag:s20] =	ssyncadd.s32 $0xFFFFE000  }
0xeb: {  	[tilespmem:s21], [sflag:$0x2] =	stream.indirect.gather [hbm4b:s8+s18], $0x40, s31, s18, $0xb8;
	[tilespmem:$0x1D000] =	vst v63  }
0xec: {  	s31 =	sadd.s32 $0x2800, s0  }
0xed: {  	[spmem:s2] =	stream.indirect.scatter.add.bf16 [tilespmem:s19], [sflag:$0x3], $0x40, s31, s18, $0xb8;
	[tilespmem:$0x1D000] =	vst v63  }
0xee: {  	_ =	swait.ge [sflag:s15], $0x2000  }
0xef: {  	[sflag:s15] =	ssyncset.done $0x0  }
0xf0: {  	[sflag:s15] =	ssyncadd.s32 $0xFFFFE000  }
0xf1: {  	_ =	swait.ge [sflag:s22], $0x2000  }
0xf2: {  	[sflag:s22] =	ssyncset.done $0x0  }
0xf3: {  	s31 =	sadd.s32 $0x100, s0;
	[sflag:s22] =	ssyncadd.s32 $0xFFFFE000  }
0xf4: {  	[tilespmem:s19], [sflag:$0x1] =	stream.indirect.gather [hbm4b:s8+s18], $0x40, s31, s18, $0xb8;
	[tilespmem:$0x1D000] =	vst v63  }
.Ltmp9:
0xf5: {  	_ = 	snop;
	(pc) =	sbr.rel @!p1 .LBB2_13-.Ltmp9, $4  }
0xf6: {  	s0 =	sadd.s32 $0x2880, s0  }
0xf7: {  	[spmem:s2] =	stream.indirect.scatter.add.bf16 [tilespmem:s21], [sflag:$0x3], $0x40, s0, s18, $0xb8;
	[tilespmem:$0x1D000] =	vst v63  }
0xf8: {  	_ =	swait.ge [sflag:s15], $0x2000  }
0xf9: {  	[sflag:s15] =	ssyncset.done $0x0  }
.Ltmp10:
0xfa: {  	_ = 	snop;
	(pc) =	sbr.rel .LBB2_14-.Ltmp10, $1  }
0xfb: {  	_ =	sdelay $0x3  }
.LBB2_16:
0xfc: {  	_ =	sfence.sel $0x180000  }
0xfd: {  	[bflag:$0x0] =	sbarrier.arrive $0xFFFF  }
0xfe: {  	_ =	strace $0x9000004A  }
0xff: {  	[bflag:$0x2] =	sbarrier.arrive $0xFFFF  }
0x100: {  	p0 =	sne.s32 s1, $0x0;
	s0 =	rddreg [dreg:$0x2]  }
0x101: {  	s0 =	sadd.s32 @!p0 $0x100000, s0  }
0x102: {  	[sflag:s0] =	ssyncadd.tile.s32 @!p0 $0x1;
	_ =	shalt  }
.Lfunc_end2:
_tile_overlayer_lowered:
.L_overlay_start_2:
0x103: {  	(tag) =	ssettag $0x2  }
0x104: {  	s0 =	rddreg [dreg:$0x0];
	s2 =	stileid.u32  }
0x105: {  	s1 =	rddreg [dreg:$0x1];
	p0 =	sne.s32 s2, $0x0  }
0x106: {  	s3 =	rddreg [dreg:$0x2];
	[bflag:$0x3] =	sbarrier.arrive $0xFFFF;
	s2 =	simm.s32 @!p0 $0x1C03  }
0x107: {  	[timem:s3], [sflag:s2] =	dma.local @!p0 [hbm:s0], s1  }
0x108: {  	s0 =	simm.s32 @!p0 $0x3  }
0x109: {  	_ =	swait.ge @!p0 [sflag:s0], s1  }
0x10a: {  	s1 =	ssub.s32 @!p0 $0x0, s1;
	[sflag:s0] =	ssyncset.done @!p0 $0x0  }
0x10b: {  	[sflag:s0] =	ssyncadd.s32 @!p0 s1  }
0x10c: {  	[bflag:$0x3] =	sbarrier.arrive $0xFFFF  }
0x10d: {  	_ =	shalt  }

</sc_bundles>
